<compile_context>
chip_gen: v7x
topology: tpu7x:2x2x1
jax: 0.10.2.dev20260603
libtpu: 0.0.44.dev20260713+nightly
codegen_flags: <defaults>
</compile_context>

<pallas_src>
import functools

import jax
import jax.numpy as jnp
from jax import lax
from jax.experimental import pallas as pl
from jax.experimental.pallas import tpu as pltpu
from jax.experimental.pallas import tpu_sc as plsc

NUM_ENTITIES = 1000000
NUM_RELATIONS = 1000
EMBED_DIM = 64
BATCH = 16384

NC = 2
NS = 16
NW = NC * NS
BPW = BATCH // NW
LANES = 16
NSEM = 4
WAVE = 256
NWAVE = BPW // WAVE


def _make_sc_lookup():
  mesh = plsc.VectorSubcoreMesh(core_axis_name="c", subcore_axis_name="s")

  @functools.partial(
      pl.kernel,
      mesh=mesh,
      compiler_params=pltpu.CompilerParams(needs_layout_passes=False),
      out_type=(
          jax.ShapeDtypeStruct((BATCH, EMBED_DIM), jnp.float32),
          jax.ShapeDtypeStruct((BATCH, EMBED_DIM), jnp.float32),
      ),
      scratch_types=[
          pltpu.VMEM((BPW,), jnp.int32),
          pltpu.VMEM((BPW,), jnp.int32),
          pltpu.VMEM((WAVE, EMBED_DIM), jnp.float32),
          pltpu.VMEM((WAVE, EMBED_DIM), jnp.float32),
          [pltpu.SemaphoreType.DMA] * NSEM,
          [pltpu.SemaphoreType.DMA] * NSEM,
      ],
  )
  def lookup(heads_hbm, rels_hbm, ent_hbm, rel_hbm, out_h, out_r,
             hidx_v, ridx_v, hrows, rrows, hsems, rsems):
    wid = lax.axis_index("s") * NC + lax.axis_index("c")
    base = wid * BPW
    pltpu.sync_copy(heads_hbm.at[wid], hidx_v)
    pltpu.sync_copy(rels_hbm.at[wid], ridx_v)

    def fire(idx_v, table, rows, sems, wbase):
      def body(g, _):
        gb = wbase + g * LANES
        vec = idx_v[pl.ds(gb, LANES)]
        for j in range(LANES):
          pltpu.async_copy(table.at[pl.ds(vec[j], 1)],
                           rows.at[pl.ds(g * LANES + j, 1)],
                           sems[j % NSEM])
        return _
      lax.fori_loop(0, WAVE // LANES, body, 0)

    def drain(table, rows, sems):
      def body(i, _):
        for q in range(NSEM):
          pltpu.make_async_copy(table.at[pl.ds(0, 1)],
                                rows.at[pl.ds(i, 1)], sems[q]).wait()
        return _
      lax.fori_loop(0, WAVE // NSEM, body, 0)

    for w in range(NWAVE):
      wb = w * WAVE
      fire(hidx_v, ent_hbm, hrows, hsems, wb)
      fire(ridx_v, rel_hbm, rrows, rsems, wb)
      drain(ent_hbm, hrows, hsems)
      pltpu.sync_copy(hrows, out_h.at[pl.ds(base + wb, WAVE)])
      drain(rel_hbm, rrows, rsems)
      pltpu.sync_copy(rrows, out_r.at[pl.ds(base + wb, WAVE)])

  return lookup


_lookup = _make_sc_lookup()


@jax.jit
def kernel(heads, relations, entity_table, relation_table):
  heads_r = heads.astype(jnp.int32).reshape(NW, BPW)
  rels_r = relations.astype(jnp.int32).reshape(NW, BPW)
  return _lookup(heads_r, rels_r, entity_table, relation_table)

# --- scband reference (transcript-rebuilt; emitter-appended) ---
"""Pipeline reference for scband-nas-embedding-generator-91276644974789 (READ-ONLY COPY).

The authoritative reference and input builder live on the scoring server;
editing this copy changes nothing except your own understanding.
"""

import jax, jax.numpy as jnp
import numpy as np

NUM_ENTITIES = 1000000
NUM_RELATIONS = 1000
EMBED_DIM = 64
BATCH = 16384


def setup_inputs(seed: int = 0) -> dict:
    key = jax.random.key(seed)
    k_h, k_r, k_e, k_rel = jax.random.split(key, 4)
    heads = jax.random.randint(k_h, (BATCH,), 0, NUM_ENTITIES, dtype=jnp.int64 if jax.config.jax_enable_x64 else jnp.int32)
    relations = jax.random.randint(k_r, (BATCH,), 0, NUM_RELATIONS, dtype=jnp.int64 if jax.config.jax_enable_x64 else jnp.int32)
    # nn.Embedding default init: N(0, 1)
    entity_table = jax.random.normal(k_e, (NUM_ENTITIES, EMBED_DIM), dtype=jnp.float32)
    relation_table = jax.random.normal(k_rel, (NUM_RELATIONS, EMBED_DIM), dtype=jnp.float32)
    return {"heads": heads, "relations": relations, "entity_table": entity_table, "relation_table": relation_table}


def reference(heads, relations, entity_table, relation_table):
    head_emb = jnp.take(entity_table, heads, axis=0)
    rel_emb = jnp.take(relation_table, relations, axis=0)
    return (head_emb, rel_emb)

if __name__ == "__main__":
    import jax
    _d = setup_inputs()
    print(jax.jit(kernel)(*tuple(_d.values())))

</pallas_src>

<mosaic_0001>
#map = affine_map<(d0, d1) -> (0, 0)>
module attributes {stable_mosaic.version = 14 : i64} {
  func.func @lookup(%arg0: i32, %arg1: i32, %arg2: memref<32x512xi32, #tpu.memory_space<hbm>>, %arg3: memref<32x512xi32, #tpu.memory_space<hbm>>, %arg4: memref<1000000x64xf32, #tpu.memory_space<hbm>>, %arg5: memref<1000x64xf32, #tpu.memory_space<hbm>>, %arg6: memref<16384x64xf32, #tpu.memory_space<hbm>>, %arg7: memref<16384x64xf32, #tpu.memory_space<hbm>>, %arg8: memref<512xi32, #tpu.memory_space<vmem>>, %arg9: memref<512xi32, #tpu.memory_space<vmem>>, %arg10: memref<256x64xf32, #tpu.memory_space<vmem>>, %arg11: memref<256x64xf32, #tpu.memory_space<vmem>>, %arg12: memref<!tpu.dma_semaphore, #tpu.memory_space<semaphore_mem>>, %arg13: memref<!tpu.dma_semaphore, #tpu.memory_space<semaphore_mem>>, %arg14: memref<!tpu.dma_semaphore, #tpu.memory_space<semaphore_mem>>, %arg15: memref<!tpu.dma_semaphore, #tpu.memory_space<semaphore_mem>>, %arg16: memref<!tpu.dma_semaphore, #tpu.memory_space<semaphore_mem>>, %arg17: memref<!tpu.dma_semaphore, #tpu.memory_space<semaphore_mem>>, %arg18: memref<!tpu.dma_semaphore, #tpu.memory_space<semaphore_mem>>, %arg19: memref<!tpu.dma_semaphore, #tpu.memory_space<semaphore_mem>>) attributes {dimension_semantics = [#tpu.dimension_semantics<core_parallel>, #tpu.dimension_semantics<subcore_parallel>], iteration_bounds = array<i64: 2, 16>, scalar_prefetch = 0 : i64, scratch_operands = 12 : i64, tpu.core_type = #tpu.core_type<sc_vector_subcore>, window_params = [{transform_indices = #map}, {transform_indices = #map}, {transform_indices = #map}, {transform_indices = #map}, {transform_indices = #map}, {transform_indices = #map}]} {
    %mul3A = arith.constant 2 : i32
    %mul3A_0 = arith.muli %arg1, %mul3A : i32
    %add3A = arith.addi %mul3A_0, %arg0 : i32
    %mul3A_1 = arith.constant 512 : i32
    %mul3A_2 = arith.muli %add3A, %mul3A_1 : i32
    "tpu.region"() ({
      %run_scoped3A = tpu.sem_alloc : memref<!tpu.dma_semaphore, #tpu.memory_space<semaphore_mem>>
      %dma_start3A = arith.constant 0 : i32
      %dma_start3A_58 = tpu.memref_slice %arg2[%add3A, %dma_start3A] : memref<32x512xi32, #tpu.memory_space<hbm>> -> memref<1x512xi32, #tpu.memory_space<hbm>>
      %dma_start3A_59 = tpu.memref_squeeze %dma_start3A_58 : memref<1x512xi32, #tpu.memory_space<hbm>> -> memref<512xi32, #tpu.memory_space<hbm>>
      %dma_start3A_60 = arith.constant 0 : i32
      %dma_start3A_61 = tpu.memref_slice %arg2[%add3A, %dma_start3A_60] : memref<32x512xi32, #tpu.memory_space<hbm>> -> memref<1x512xi32, #tpu.memory_space<hbm>>
      %dma_start3A_62 = tpu.memref_squeeze %dma_start3A_61 : memref<1x512xi32, #tpu.memory_space<hbm>> -> memref<512xi32, #tpu.memory_space<hbm>>
      tpu.enqueue_dma source(%dma_start3A_62 : memref<512xi32, #tpu.memory_space<hbm>>) target(%arg8 : memref<512xi32, #tpu.memory_space<vmem>>) target_semaphore(%run_scoped3A : memref<!tpu.dma_semaphore, #tpu.memory_space<semaphore_mem>>)
      %dma_wait3A = arith.constant 0 : i32
      %dma_wait3A_63 = tpu.memref_slice %arg2[%add3A, %dma_wait3A] : memref<32x512xi32, #tpu.memory_space<hbm>> -> memref<1x512xi32, #tpu.memory_space<hbm>>
      %dma_wait3A_64 = tpu.memref_squeeze %dma_wait3A_63 : memref<1x512xi32, #tpu.memory_space<hbm>> -> memref<512xi32, #tpu.memory_space<hbm>>
      %dma_wait3A_65 = arith.constant 0 : i32
      %dma_wait3A_66 = tpu.memref_slice %arg2[%add3A, %dma_wait3A_65] : memref<32x512xi32, #tpu.memory_space<hbm>> -> memref<1x512xi32, #tpu.memory_space<hbm>>
      %dma_wait3A_67 = tpu.memref_squeeze %dma_wait3A_66 : memref<1x512xi32, #tpu.memory_space<hbm>> -> memref<512xi32, #tpu.memory_space<hbm>>
      tpu.wait_dma2 semaphore(%run_scoped3A : memref<!tpu.dma_semaphore, #tpu.memory_space<semaphore_mem>>) src(%dma_wait3A_67 : memref<512xi32, #tpu.memory_space<hbm>>) dst(%arg8 : memref<512xi32, #tpu.memory_space<vmem>>)
      tpu.yield
    }) : () -> ()
    "tpu.region"() ({
      %run_scoped3A = tpu.sem_alloc : memref<!tpu.dma_semaphore, #tpu.memory_space<semaphore_mem>>
      %dma_start3A = arith.constant 0 : i32
      %dma_start3A_58 = tpu.memref_slice %arg3[%add3A, %dma_start3A] : memref<32x512xi32, #tpu.memory_space<hbm>> -> memref<1x512xi32, #tpu.memory_space<hbm>>
      %dma_start3A_59 = tpu.memref_squeeze %dma_start3A_58 : memref<1x512xi32, #tpu.memory_space<hbm>> -> memref<512xi32, #tpu.memory_space<hbm>>
      %dma_start3A_60 = arith.constant 0 : i32
      %dma_start3A_61 = tpu.memref_slice %arg3[%add3A, %dma_start3A_60] : memref<32x512xi32, #tpu.memory_space<hbm>> -> memref<1x512xi32, #tpu.memory_space<hbm>>
      %dma_start3A_62 = tpu.memref_squeeze %dma_start3A_61 : memref<1x512xi32, #tpu.memory_space<hbm>> -> memref<512xi32, #tpu.memory_space<hbm>>
      tpu.enqueue_dma source(%dma_start3A_62 : memref<512xi32, #tpu.memory_space<hbm>>) target(%arg9 : memref<512xi32, #tpu.memory_space<vmem>>) target_semaphore(%run_scoped3A : memref<!tpu.dma_semaphore, #tpu.memory_space<semaphore_mem>>)
      %dma_wait3A = arith.constant 0 : i32
      %dma_wait3A_63 = tpu.memref_slice %arg3[%add3A, %dma_wait3A] : memref<32x512xi32, #tpu.memory_space<hbm>> -> memref<1x512xi32, #tpu.memory_space<hbm>>
      %dma_wait3A_64 = tpu.memref_squeeze %dma_wait3A_63 : memref<1x512xi32, #tpu.memory_space<hbm>> -> memref<512xi32, #tpu.memory_space<hbm>>
      %dma_wait3A_65 = arith.constant 0 : i32
      %dma_wait3A_66 = tpu.memref_slice %arg3[%add3A, %dma_wait3A_65] : memref<32x512xi32, #tpu.memory_space<hbm>> -> memref<1x512xi32, #tpu.memory_space<hbm>>
      %dma_wait3A_67 = tpu.memref_squeeze %dma_wait3A_66 : memref<1x512xi32, #tpu.memory_space<hbm>> -> memref<512xi32, #tpu.memory_space<hbm>>
      tpu.wait_dma2 semaphore(%run_scoped3A : memref<!tpu.dma_semaphore, #tpu.memory_space<semaphore_mem>>) src(%dma_wait3A_67 : memref<512xi32, #tpu.memory_space<hbm>>) dst(%arg9 : memref<512xi32, #tpu.memory_space<vmem>>)
      tpu.yield
    }) : () -> ()
    %scan3A = arith.constant 0 : i32
    %scan3A_3 = arith.constant 0 : i32
    %scan3A_4 = arith.constant 16 : i32
    %scan3A_5 = arith.addi %scan3A_3, %scan3A_4 : i32
    %scan3A_6 = arith.constant 1 : i32
    scf.for %scan3A_58 = %scan3A_3 to %scan3A_5 step %scan3A_6  : i32 {
      %mul3A_59 = arith.constant 16 : i32
      %mul3A_60 = arith.muli %scan3A_58, %mul3A_59 : i32
      %add3A_61 = arith.constant 0 : i32
      %add3A_62 = arith.addi %add3A_61, %mul3A_60 : i32
      %get3A = arith.index_cast %add3A_62 : i32 to index
      %get3A_63 = tpu.vector_load %arg8[%get3A] {strides = array<i32>} : memref<512xi32, #tpu.memory_space<vmem>>, vector<16xi32>,
      %slice3A = vector.extract_strided_slice %get3A_63 {offsets = [0], sizes = [1], strides = [1]} : vector<16xi32> to vector<1xi32>
      %squeeze3A = vector.extract %slice3A[0] : i32 from vector<1xi32>
      %mul3A_64 = arith.constant 16 : i32
      %mul3A_65 = arith.muli %scan3A_58, %mul3A_64 : i32
      %add3A_66 = arith.constant 0 : i32
      %add3A_67 = arith.addi %mul3A_65, %add3A_66 : i32
      %dma_start3A = arith.constant 0 : i32
      %dma_start3A_68 = tpu.memref_slice %arg10[%add3A_67, %dma_start3A] : memref<256x64xf32, #tpu.memory_space<vmem>> -> memref<1x64xf32, #tpu.memory_space<vmem>>
      %dma_start3A_69 = arith.constant 0 : i32
      %dma_start3A_70 = tpu.memref_slice %arg4[%squeeze3A, %dma_start3A_69] : memref<1000000x64xf32, #tpu.memory_space<hbm>> -> memref<1x64xf32, #tpu.memory_space<hbm>>
      %dma_start3A_71 = arith.constant 0 : i32
      %dma_start3A_72 = tpu.memref_slice %arg10[%add3A_67, %dma_start3A_71] : memref<256x64xf32, #tpu.memory_space<vmem>> -> memref<1x64xf32, #tpu.memory_space<vmem>>
      %dma_start3A_73 = arith.constant 0 : i32
      %dma_start3A_74 = tpu.memref_slice %arg4[%squeeze3A, %dma_start3A_73] : memref<1000000x64xf32, #tpu.memory_space<hbm>> -> memref<1x64xf32, #tpu.memory_space<hbm>>
      tpu.enqueue_dma source(%dma_start3A_74 : memref<1x64xf32, #tpu.memory_space<hbm>>) target(%dma_start3A_72 : memref<1x64xf32, #tpu.memory_space<vmem>>) target_semaphore(%arg12 : memref<!tpu.dma_semaphore, #tpu.memory_space<semaphore_mem>>)
      %slice3A_75 = vector.extract_strided_slice %get3A_63 {offsets = [1], sizes = [1], strides = [1]} : vector<16xi32> to vector<1xi32>
      %squeeze3A_76 = vector.extract %slice3A_75[0] : i32 from vector<1xi32>
      %mul3A_77 = arith.constant 16 : i32
      %mul3A_78 = arith.muli %scan3A_58, %mul3A_77 : i32
      %add3A_79 = arith.constant 1 : i32
      %add3A_80 = arith.addi %mul3A_78, %add3A_79 : i32
      %dma_start3A_81 = arith.constant 0 : i32
      %dma_start3A_82 = tpu.memref_slice %arg10[%add3A_80, %dma_start3A_81] : memref<256x64xf32, #tpu.memory_space<vmem>> -> memref<1x64xf32, #tpu.memory_space<vmem>>
      %dma_start3A_83 = arith.constant 0 : i32
      %dma_start3A_84 = tpu.memref_slice %arg4[%squeeze3A_76, %dma_start3A_83] : memref<1000000x64xf32, #tpu.memory_space<hbm>> -> memref<1x64xf32, #tpu.memory_space<hbm>>
      %dma_start3A_85 = arith.constant 0 : i32
      %dma_start3A_86 = tpu.memref_slice %arg10[%add3A_80, %dma_start3A_85] : memref<256x64xf32, #tpu.memory_space<vmem>> -> memref<1x64xf32, #tpu.memory_space<vmem>>
      %dma_start3A_87 = arith.constant 0 : i32
      %dma_start3A_88 = tpu.memref_slice %arg4[%squeeze3A_76, %dma_start3A_87] : memref<1000000x64xf32, #tpu.memory_space<hbm>> -> memref<1x64xf32, #tpu.memory_space<hbm>>
      tpu.enqueue_dma source(%dma_start3A_88 : memref<1x64xf32, #tpu.memory_space<hbm>>) target(%dma_start3A_86 : memref<1x64xf32, #tpu.memory_space<vmem>>) target_semaphore(%arg13 : memref<!tpu.dma_semaphore, #tpu.memory_space<semaphore_mem>>)
      %slice3A_89 = vector.extract_strided_slice %get3A_63 {offsets = [2], sizes = [1], strides = [1]} : vector<16xi32> to vector<1xi32>
      %squeeze3A_90 = vector.extract %slice3A_89[0] : i32 from vector<1xi32>
      %mul3A_91 = arith.constant 16 : i32
      %mul3A_92 = arith.muli %scan3A_58, %mul3A_91 : i32
      %add3A_93 = arith.constant 2 : i32
      %add3A_94 = arith.addi %mul3A_92, %add3A_93 : i32
      %dma_start3A_95 = arith.constant 0 : i32
      %dma_start3A_96 = tpu.memref_slice %arg10[%add3A_94, %dma_start3A_95] : memref<256x64xf32, #tpu.memory_space<vmem>> -> memref<1x64xf32, #tpu.memory_space<vmem>>
      %dma_start3A_97 = arith.constant 0 : i32
      %dma_start3A_98 = tpu.memref_slice %arg4[%squeeze3A_90, %dma_start3A_97] : memref<1000000x64xf32, #tpu.memory_space<hbm>> -> memref<1x64xf32, #tpu.memory_space<hbm>>
      %dma_start3A_99 = arith.constant 0 : i32
      %dma_start3A_100 = tpu.memref_slice %arg10[%add3A_94, %dma_start3A_99] : memref<256x64xf32, #tpu.memory_space<vmem>> -> memref<1x64xf32, #tpu.memory_space<vmem>>
      %dma_start3A_101 = arith.constant 0 : i32
      %dma_start3A_102 = tpu.memref_slice %arg4[%squeeze3A_90, %dma_start3A_101] : memref<1000000x64xf32, #tpu.memory_space<hbm>> -> memref<1x64xf32, #tpu.memory_space<hbm>>
      tpu.enqueue_dma source(%dma_start3A_102 : memref<1x64xf32, #tpu.memory_space<hbm>>) target(%dma_start3A_100 : memref<1x64xf32, #tpu.memory_space<vmem>>) target_semaphore(%arg14 : memref<!tpu.dma_semaphore, #tpu.memory_space<semaphore_mem>>)
      %slice3A_103 = vector.extract_strided_slice %get3A_63 {offsets = [3], sizes = [1], strides = [1]} : vector<16xi32> to vector<1xi32>
      %squeeze3A_104 = vector.extract %slice3A_103[0] : i32 from vector<1xi32>
      %mul3A_105 = arith.constant 16 : i32
      %mul3A_106 = arith.muli %scan3A_58, %mul3A_105 : i32
      %add3A_107 = arith.constant 3 : i32
      %add3A_108 = arith.addi %mul3A_106, %add3A_107 : i32
      %dma_start3A_109 = arith.constant 0 : i32
      %dma_start3A_110 = tpu.memref_slice %arg10[%add3A_108, %dma_start3A_109] : memref<256x64xf32, #tpu.memory_space<vmem>> -> memref<1x64xf32, #tpu.memory_space<vmem>>
      %dma_start3A_111 = arith.constant 0 : i32
      %dma_start3A_112 = tpu.memref_slice %arg4[%squeeze3A_104, %dma_start3A_111] : memref<1000000x64xf32, #tpu.memory_space<hbm>> -> memref<1x64xf32, #tpu.memory_space<hbm>>
      %dma_start3A_113 = arith.constant 0 : i32
      %dma_start3A_114 = tpu.memref_slice %arg10[%add3A_108, %dma_start3A_113] : memref<256x64xf32, #tpu.memory_space<vmem>> -> memref<1x64xf32, #tpu.memory_space<vmem>>
      %dma_start3A_115 = arith.constant 0 : i32
      %dma_start3A_116 = tpu.memref_slice %arg4[%squeeze3A_104, %dma_start3A_115] : memref<1000000x64xf32, #tpu.memory_space<hbm>> -> memref<1x64xf32, #tpu.memory_space<hbm>>
      tpu.enqueue_dma source(%dma_start3A_116 : memref<1x64xf32, #tpu.memory_space<hbm>>) target(%dma_start3A_114 : memref<1x64xf32, #tpu.memory_space<vmem>>) target_semaphore(%arg15 : memref<!tpu.dma_semaphore, #tpu.memory_space<semaphore_mem>>)
      %slice3A_117 = vector.extract_strided_slice %get3A_63 {offsets = [4], sizes = [1], strides = [1]} : vector<16xi32> to vector<1xi32>
      %squeeze3A_118 = vector.extract %slice3A_117[0] : i32 from vector<1xi32>
      %mul3A_119 = arith.constant 16 : i32
      %mul3A_120 = arith.muli %scan3A_58, %mul3A_119 : i32
      %add3A_121 = arith.constant 4 : i32
      %add3A_122 = arith.addi %mul3A_120, %add3A_121 : i32
      %dma_start3A_123 = arith.constant 0 : i32
      %dma_start3A_124 = tpu.memref_slice %arg10[%add3A_122, %dma_start3A_123] : memref<256x64xf32, #tpu.memory_space<vmem>> -> memref<1x64xf32, #tpu.memory_space<vmem>>
      %dma_start3A_125 = arith.constant 0 : i32
      %dma_start3A_126 = tpu.memref_slice %arg4[%squeeze3A_118, %dma_start3A_125] : memref<1000000x64xf32, #tpu.memory_space<hbm>> -> memref<1x64xf32, #tpu.memory_space<hbm>>
      %dma_start3A_127 = arith.constant 0 : i32
      %dma_start3A_128 = tpu.memref_slice %arg10[%add3A_122, %dma_start3A_127] : memref<256x64xf32, #tpu.memory_space<vmem>> -> memref<1x64xf32, #tpu.memory_space<vmem>>
      %dma_start3A_129 = arith.constant 0 : i32
      %dma_start3A_130 = tpu.memref_slice %arg4[%squeeze3A_118, %dma_start3A_129] : memref<1000000x64xf32, #tpu.memory_space<hbm>> -> memref<1x64xf32, #tpu.memory_space<hbm>>
      tpu.enqueue_dma source(%dma_start3A_130 : memref<1x64xf32, #tpu.memory_space<hbm>>) target(%dma_start3A_128 : memref<1x64xf32, #tpu.memory_space<vmem>>) target_semaphore(%arg12 : memref<!tpu.dma_semaphore, #tpu.memory_space<semaphore_mem>>)
      %slice3A_131 = vector.extract_strided_slice %get3A_63 {offsets = [5], sizes = [1], strides = [1]} : vector<16xi32> to vector<1xi32>
      %squeeze3A_132 = vector.extract %slice3A_131[0] : i32 from vector<1xi32>
      %mul3A_133 = arith.constant 16 : i32
      %mul3A_134 = arith.muli %scan3A_58, %mul3A_133 : i32
      %add3A_135 = arith.constant 5 : i32
      %add3A_136 = arith.addi %mul3A_134, %add3A_135 : i32
      %dma_start3A_137 = arith.constant 0 : i32
      %dma_start3A_138 = tpu.memref_slice %arg10[%add3A_136, %dma_start3A_137] : memref<256x64xf32, #tpu.memory_space<vmem>> -> memref<1x64xf32, #tpu.memory_space<vmem>>
      %dma_start3A_139 = arith.constant 0 : i32
      %dma_start3A_140 = tpu.memref_slice %arg4[%squeeze3A_132, %dma_start3A_139] : memref<1000000x64xf32, #tpu.memory_space<hbm>> -> memref<1x64xf32, #tpu.memory_space<hbm>>
      %dma_start3A_141 = arith.constant 0 : i32
      %dma_start3A_142 = tpu.memref_slice %arg10[%add3A_136, %dma_start3A_141] : memref<256x64xf32, #tpu.memory_space<vmem>> -> memref<1x64xf32, #tpu.memory_space<vmem>>
      %dma_start3A_143 = arith.constant 0 : i32
      %dma_start3A_144 = tpu.memref_slice %arg4[%squeeze3A_132, %dma_start3A_143] : memref<1000000x64xf32, #tpu.memory_space<hbm>> -> memref<1x64xf32, #tpu.memory_space<hbm>>
      tpu.enqueue_dma source(%dma_start3A_144 : memref<1x64xf32, #tpu.memory_space<hbm>>) target(%dma_start3A_142 : memref<1x64xf32, #tpu.memory_space<vmem>>) target_semaphore(%arg13 : memref<!tpu.dma_semaphore, #tpu.memory_space<semaphore_mem>>)
      %slice3A_145 = vector.extract_strided_slice %get3A_63 {offsets = [6], sizes = [1], strides = [1]} : vector<16xi32> to vector<1xi32>
      %squeeze3A_146 = vector.extract %slice3A_145[0] : i32 from vector<1xi32>
      %mul3A_147 = arith.constant 16 : i32
      %mul3A_148 = arith.muli %scan3A_58, %mul3A_147 : i32
      %add3A_149 = arith.constant 6 : i32
      %add3A_150 = arith.addi %mul3A_148, %add3A_149 : i32
      %dma_start3A_151 = arith.constant 0 : i32
      %dma_start3A_152 = tpu.memref_slice %arg10[%add3A_150, %dma_start3A_151] : memref<256x64xf32, #tpu.memory_space<vmem>> -> memref<1x64xf32, #tpu.memory_space<vmem>>
      %dma_start3A_153 = arith.constant 0 : i32
      %dma_start3A_154 = tpu.memref_slice %arg4[%squeeze3A_146, %dma_start3A_153] : memref<1000000x64xf32, #tpu.memory_space<hbm>> -> memref<1x64xf32, #tpu.memory_space<hbm>>
      %dma_start3A_155 = arith.constant 0 : i32
      %dma_start3A_156 = tpu.memref_slice %arg10[%add3A_150, %dma_start3A_155] : memref<256x64xf32, #tpu.memory_space<vmem>> -> memref<1x64xf32, #tpu.memory_space<vmem>>
      %dma_start3A_157 = arith.constant 0 : i32
      %dma_start3A_158 = tpu.memref_slice %arg4[%squeeze3A_146, %dma_start3A_157] : memref<1000000x64xf32, #tpu.memory_space<hbm>> -> memref<1x64xf32, #tpu.memory_space<hbm>>
      tpu.enqueue_dma source(%dma_start3A_158 : memref<1x64xf32, #tpu.memory_space<hbm>>) target(%dma_start3A_156 : memref<1x64xf32, #tpu.memory_space<vmem>>) target_semaphore(%arg14 : memref<!tpu.dma_semaphore, #tpu.memory_space<semaphore_mem>>)
      %slice3A_159 = vector.extract_strided_slice %get3A_63 {offsets = [7], sizes = [1], strides = [1]} : vector<16xi32> to vector<1xi32>
      %squeeze3A_160 = vector.extract %slice3A_159[0] : i32 from vector<1xi32>
      %mul3A_161 = arith.constant 16 : i32
      %mul3A_162 = arith.muli %scan3A_58, %mul3A_161 : i32
      %add3A_163 = arith.constant 7 : i32
      %add3A_164 = arith.addi %mul3A_162, %add3A_163 : i32
      %dma_start3A_165 = arith.constant 0 : i32
      %dma_start3A_166 = tpu.memref_slice %arg10[%add3A_164, %dma_start3A_165] : memref<256x64xf32, #tpu.memory_space<vmem>> -> memref<1x64xf32, #tpu.memory_space<vmem>>
      %dma_start3A_167 = arith.constant 0 : i32
      %dma_start3A_168 = tpu.memref_slice %arg4[%squeeze3A_160, %dma_start3A_167] : memref<1000000x64xf32, #tpu.memory_space<hbm>> -> memref<1x64xf32, #tpu.memory_space<hbm>>
      %dma_start3A_169 = arith.constant 0 : i32
      %dma_start3A_170 = tpu.memref_slice %arg10[%add3A_164, %dma_start3A_169] : memref<256x64xf32, #tpu.memory_space<vmem>> -> memref<1x64xf32, #tpu.memory_space<vmem>>
      %dma_start3A_171 = arith.constant 0 : i32
      %dma_start3A_172 = tpu.memref_slice %arg4[%squeeze3A_160, %dma_start3A_171] : memref<1000000x64xf32, #tpu.memory_space<hbm>> -> memref<1x64xf32, #tpu.memory_space<hbm>>
      tpu.enqueue_dma source(%dma_start3A_172 : memref<1x64xf32, #tpu.memory_space<hbm>>) target(%dma_start3A_170 : memref<1x64xf32, #tpu.memory_space<vmem>>) target_semaphore(%arg15 : memref<!tpu.dma_semaphore, #tpu.memory_space<semaphore_mem>>)
      %slice3A_173 = vector.extract_strided_slice %get3A_63 {offsets = [8], sizes = [1], strides = [1]} : vector<16xi32> to vector<1xi32>
      %squeeze3A_174 = vector.extract %slice3A_173[0] : i32 from vector<1xi32>
      %mul3A_175 = arith.constant 16 : i32
      %mul3A_176 = arith.muli %scan3A_58, %mul3A_175 : i32
      %add3A_177 = arith.constant 8 : i32
      %add3A_178 = arith.addi %mul3A_176, %add3A_177 : i32
      %dma_start3A_179 = arith.constant 0 : i32
      %dma_start3A_180 = tpu.memref_slice %arg10[%add3A_178, %dma_start3A_179] : memref<256x64xf32, #tpu.memory_space<vmem>> -> memref<1x64xf32, #tpu.memory_space<vmem>>
      %dma_start3A_181 = arith.constant 0 : i32
      %dma_start3A_182 = tpu.memref_slice %arg4[%squeeze3A_174, %dma_start3A_181] : memref<1000000x64xf32, #tpu.memory_space<hbm>> -> memref<1x64xf32, #tpu.memory_space<hbm>>
      %dma_start3A_183 = arith.constant 0 : i32
      %dma_start3A_184 = tpu.memref_slice %arg10[%add3A_178, %dma_start3A_183] : memref<256x64xf32, #tpu.memory_space<vmem>> -> memref<1x64xf32, #tpu.memory_space<vmem>>
      %dma_start3A_185 = arith.constant 0 : i32
      %dma_start3A_186 = tpu.memref_slice %arg4[%squeeze3A_174, %dma_start3A_185] : memref<1000000x64xf32, #tpu.memory_space<hbm>> -> memref<1x64xf32, #tpu.memory_space<hbm>>
      tpu.enqueue_dma source(%dma_start3A_186 : memref<1x64xf32, #tpu.memory_space<hbm>>) target(%dma_start3A_184 : memref<1x64xf32, #tpu.memory_space<vmem>>) target_semaphore(%arg12 : memref<!tpu.dma_semaphore, #tpu.memory_space<semaphore_mem>>)
      %slice3A_187 = vector.extract_strided_slice %get3A_63 {offsets = [9], sizes = [1], strides = [1]} : vector<16xi32> to vector<1xi32>
      %squeeze3A_188 = vector.extract %slice3A_187[0] : i32 from vector<1xi32>
      %mul3A_189 = arith.constant 16 : i32
      %mul3A_190 = arith.muli %scan3A_58, %mul3A_189 : i32
      %add3A_191 = arith.constant 9 : i32
      %add3A_192 = arith.addi %mul3A_190, %add3A_191 : i32
      %dma_start3A_193 = arith.constant 0 : i32
      %dma_start3A_194 = tpu.memref_slice %arg10[%add3A_192, %dma_start3A_193] : memref<256x64xf32, #tpu.memory_space<vmem>> -> memref<1x64xf32, #tpu.memory_space<vmem>>
      %dma_start3A_195 = arith.constant 0 : i32
      %dma_start3A_196 = tpu.memref_slice %arg4[%squeeze3A_188, %dma_start3A_195] : memref<1000000x64xf32, #tpu.memory_space<hbm>> -> memref<1x64xf32, #tpu.memory_space<hbm>>
      %dma_start3A_197 = arith.constant 0 : i32
      %dma_start3A_198 = tpu.memref_slice %arg10[%add3A_192, %dma_start3A_197] : memref<256x64xf32, #tpu.memory_space<vmem>> -> memref<1x64xf32, #tpu.memory_space<vmem>>
      %dma_start3A_199 = arith.constant 0 : i32
      %dma_start3A_200 = tpu.memref_slice %arg4[%squeeze3A_188, %dma_start3A_199] : memref<1000000x64xf32, #tpu.memory_space<hbm>> -> memref<1x64xf32, #tpu.memory_space<hbm>>
      tpu.enqueue_dma source(%dma_start3A_200 : memref<1x64xf32, #tpu.memory_space<hbm>>) target(%dma_start3A_198 : memref<1x64xf32, #tpu.memory_space<vmem>>) target_semaphore(%arg13 : memref<!tpu.dma_semaphore, #tpu.memory_space<semaphore_mem>>)
      %slice3A_201 = vector.extract_strided_slice %get3A_63 {offsets = [10], sizes = [1], strides = [1]} : vector<16xi32> to vector<1xi32>
      %squeeze3A_202 = vector.extract %slice3A_201[0] : i32 from vector<1xi32>
      %mul3A_203 = arith.constant 16 : i32
      %mul3A_204 = arith.muli %scan3A_58, %mul3A_203 : i32
      %add3A_205 = arith.constant 10 : i32
      %add3A_206 = arith.addi %mul3A_204, %add3A_205 : i32
      %dma_start3A_207 = arith.constant 0 : i32
      %dma_start3A_208 = tpu.memref_slice %arg10[%add3A_206, %dma_start3A_207] : memref<256x64xf32, #tpu.memory_space<vmem>> -> memref<1x64xf32, #tpu.memory_space<vmem>>
      %dma_start3A_209 = arith.constant 0 : i32
      %dma_start3A_210 = tpu.memref_slice %arg4[%squeeze3A_202, %dma_start3A_209] : memref<1000000x64xf32, #tpu.memory_space<hbm>> -> memref<1x64xf32, #tpu.memory_space<hbm>>
      %dma_start3A_211 = arith.constant 0 : i32
      %dma_start3A_212 = tpu.memref_slice %arg10[%add3A_206, %dma_start3A_211] : memref<256x64xf32, #tpu.memory_space<vmem>> -> memref<1x64xf32, #tpu.memory_space<vmem>>
      %dma_start3A_213 = arith.constant 0 : i32
      %dma_start3A_214 = tpu.memref_slice %arg4[%squeeze3A_202, %dma_start3A_213] : memref<1000000x64xf32, #tpu.memory_space<hbm>> -> memref<1x64xf32, #tpu.memory_space<hbm>>
      tpu.enqueue_dma source(%dma_start3A_214 : memref<1x64xf32, #tpu.memory_space<hbm>>) target(%dma_start3A_212 : memref<1x64xf32, #tpu.memory_space<vmem>>) target_semaphore(%arg14 : memref<!tpu.dma_semaphore, #tpu.memory_space<semaphore_mem>>)
      %slice3A_215 = vector.extract_strided_slice %get3A_63 {offsets = [11], sizes = [1], strides = [1]} : vector<16xi32> to vector<1xi32>
      %squeeze3A_216 = vector.extract %slice3A_215[0] : i32 from vector<1xi32>
      %mul3A_217 = arith.constant 16 : i32
      %mul3A_218 = arith.muli %scan3A_58, %mul3A_217 : i32
      %add3A_219 = arith.constant 11 : i32
      %add3A_220 = arith.addi %mul3A_218, %add3A_219 : i32
      %dma_start3A_221 = arith.constant 0 : i32
      %dma_start3A_222 = tpu.memref_slice %arg10[%add3A_220, %dma_start3A_221] : memref<256x64xf32, #tpu.memory_space<vmem>> -> memref<1x64xf32, #tpu.memory_space<vmem>>
      %dma_start3A_223 = arith.constant 0 : i32
      %dma_start3A_224 = tpu.memref_slice %arg4[%squeeze3A_216, %dma_start3A_223] : memref<1000000x64xf32, #tpu.memory_space<hbm>> -> memref<1x64xf32, #tpu.memory_space<hbm>>
      %dma_start3A_225 = arith.constant 0 : i32
      %dma_start3A_226 = tpu.memref_slice %arg10[%add3A_220, %dma_start3A_225] : memref<256x64xf32, #tpu.memory_space<vmem>> -> memref<1x64xf32, #tpu.memory_space<vmem>>
      %dma_start3A_227 = arith.constant 0 : i32
      %dma_start3A_228 = tpu.memref_slice %arg4[%squeeze3A_216, %dma_start3A_227] : memref<1000000x64xf32, #tpu.memory_space<hbm>> -> memref<1x64xf32, #tpu.memory_space<hbm>>
      tpu.enqueue_dma source(%dma_start3A_228 : memref<1x64xf32, #tpu.memory_space<hbm>>) target(%dma_start3A_226 : memref<1x64xf32, #tpu.memory_space<vmem>>) target_semaphore(%arg15 : memref<!tpu.dma_semaphore, #tpu.memory_space<semaphore_mem>>)
      %slice3A_229 = vector.extract_strided_slice %get3A_63 {offsets = [12], sizes = [1], strides = [1]} : vector<16xi32> to vector<1xi32>
      %squeeze3A_230 = vector.extract %slice3A_229[0] : i32 from vector<1xi32>
      %mul3A_231 = arith.constant 16 : i32
      %mul3A_232 = arith.muli %scan3A_58, %mul3A_231 : i32
      %add3A_233 = arith.constant 12 : i32
      %add3A_234 = arith.addi %mul3A_232, %add3A_233 : i32
      %dma_start3A_235 = arith.constant 0 : i32
      %dma_start3A_236 = tpu.memref_slice %arg10[%add3A_234, %dma_start3A_235] : memref<256x64xf32, #tpu.memory_space<vmem>> -> memref<1x64xf32, #tpu.memory_space<vmem>>
      %dma_start3A_237 = arith.constant 0 : i32
      %dma_start3A_238 = tpu.memref_slice %arg4[%squeeze3A_230, %dma_start3A_237] : memref<1000000x64xf32, #tpu.memory_space<hbm>> -> memref<1x64xf32, #tpu.memory_space<hbm>>
      %dma_start3A_239 = arith.constant 0 : i32
      %dma_start3A_240 = tpu.memref_slice %arg10[%add3A_234, %dma_start3A_239] : memref<256x64xf32, #tpu.memory_space<vmem>> -> memref<1x64xf32, #tpu.memory_space<vmem>>
      %dma_start3A_241 = arith.constant 0 : i32
      %dma_start3A_242 = tpu.memref_slice %arg4[%squeeze3A_230, %dma_start3A_241] : memref<1000000x64xf32, #tpu.memory_space<hbm>> -> memref<1x64xf32, #tpu.memory_space<hbm>>
      tpu.enqueue_dma source(%dma_start3A_242 : memref<1x64xf32, #tpu.memory_space<hbm>>) target(%dma_start3A_240 : memref<1x64xf32, #tpu.memory_space<vmem>>) target_semaphore(%arg12 : memref<!tpu.dma_semaphore, #tpu.memory_space<semaphore_mem>>)
      %slice3A_243 = vector.extract_strided_slice %get3A_63 {offsets = [13], sizes = [1], strides = [1]} : vector<16xi32> to vector<1xi32>
      %squeeze3A_244 = vector.extract %slice3A_243[0] : i32 from vector<1xi32>
      %mul3A_245 = arith.constant 16 : i32
      %mul3A_246 = arith.muli %scan3A_58, %mul3A_245 : i32
      %add3A_247 = arith.constant 13 : i32
      %add3A_248 = arith.addi %mul3A_246, %add3A_247 : i32
      %dma_start3A_249 = arith.constant 0 : i32
      %dma_start3A_250 = tpu.memref_slice %arg10[%add3A_248, %dma_start3A_249] : memref<256x64xf32, #tpu.memory_space<vmem>> -> memref<1x64xf32, #tpu.memory_space<vmem>>
      %dma_start3A_251 = arith.constant 0 : i32
      %dma_start3A_252 = tpu.memref_slice %arg4[%squeeze3A_244, %dma_start3A_251] : memref<1000000x64xf32, #tpu.memory_space<hbm>> -> memref<1x64xf32, #tpu.memory_space<hbm>>
      %dma_start3A_253 = arith.constant 0 : i32
      %dma_start3A_254 = tpu.memref_slice %arg10[%add3A_248, %dma_start3A_253] : memref<256x64xf32, #tpu.memory_space<vmem>> -> memref<1x64xf32, #tpu.memory_space<vmem>>
      %dma_start3A_255 = arith.constant 0 : i32
      %dma_start3A_256 = tpu.memref_slice %arg4[%squeeze3A_244, %dma_start3A_255] : memref<1000000x64xf32, #tpu.memory_space<hbm>> -> memref<1x64xf32, #tpu.memory_space<hbm>>
      tpu.enqueue_dma source(%dma_start3A_256 : memref<1x64xf32, #tpu.memory_space<hbm>>) target(%dma_start3A_254 : memref<1x64xf32, #tpu.memory_space<vmem>>) target_semaphore(%arg13 : memref<!tpu.dma_semaphore, #tpu.memory_space<semaphore_mem>>)
      %slice3A_257 = vector.extract_strided_slice %get3A_63 {offsets = [14], sizes = [1], strides = [1]} : vector<16xi32> to vector<1xi32>
      %squeeze3A_258 = vector.extract %slice3A_257[0] : i32 from vector<1xi32>
      %mul3A_259 = arith.constant 16 : i32
      %mul3A_260 = arith.muli %scan3A_58, %mul3A_259 : i32
      %add3A_261 = arith.constant 14 : i32
      %add3A_262 = arith.addi %mul3A_260, %add3A_261 : i32
      %dma_start3A_263 = arith.constant 0 : i32
      %dma_start3A_264 = tpu.memref_slice %arg10[%add3A_262, %dma_start3A_263] : memref<256x64xf32, #tpu.memory_space<vmem>> -> memref<1x64xf32, #tpu.memory_space<vmem>>
      %dma_start3A_265 = arith.constant 0 : i32
      %dma_start3A_266 = tpu.memref_slice %arg4[%squeeze3A_258, %dma_start3A_265] : memref<1000000x64xf32, #tpu.memory_space<hbm>> -> memref<1x64xf32, #tpu.memory_space<hbm>>
      %dma_start3A_267 = arith.constant 0 : i32
      %dma_start3A_268 = tpu.memref_slice %arg10[%add3A_262, %dma_start3A_267] : memref<256x64xf32, #tpu.memory_space<vmem>> -> memref<1x64xf32, #tpu.memory_space<vmem>>
      %dma_start3A_269 = arith.constant 0 : i32
      %dma_start3A_270 = tpu.memref_slice %arg4[%squeeze3A_258, %dma_start3A_269] : memref<1000000x64xf32, #tpu.memory_space<hbm>> -> memref<1x64xf32, #tpu.memory_space<hbm>>
      tpu.enqueue_dma source(%dma_start3A_270 : memref<1x64xf32, #tpu.memory_space<hbm>>) target(%dma_start3A_268 : memref<1x64xf32, #tpu.memory_space<vmem>>) target_semaphore(%arg14 : memref<!tpu.dma_semaphore, #tpu.memory_space<semaphore_mem>>)
      %slice3A_271 = vector.extract_strided_slice %get3A_63 {offsets = [15], sizes = [1], strides = [1]} : vector<16xi32> to vector<1xi32>
      %squeeze3A_272 = vector.extract %slice3A_271[0] : i32 from vector<1xi32>
      %mul3A_273 = arith.constant 16 : i32
      %mul3A_274 = arith.muli %scan3A_58, %mul3A_273 : i32
      %add3A_275 = arith.constant 15 : i32
      %add3A_276 = arith.addi %mul3A_274, %add3A_275 : i32
      %dma_start3A_277 = arith.constant 0 : i32
      %dma_start3A_278 = tpu.memref_slice %arg10[%add3A_276, %dma_start3A_277] : memref<256x64xf32, #tpu.memory_space<vmem>> -> memref<1x64xf32, #tpu.memory_space<vmem>>
      %dma_start3A_279 = arith.constant 0 : i32
      %dma_start3A_280 = tpu.memref_slice %arg4[%squeeze3A_272, %dma_start3A_279] : memref<1000000x64xf32, #tpu.memory_space<hbm>> -> memref<1x64xf32, #tpu.memory_space<hbm>>
      %dma_start3A_281 = arith.constant 0 : i32
      %dma_start3A_282 = tpu.memref_slice %arg10[%add3A_276, %dma_start3A_281] : memref<256x64xf32, #tpu.memory_space<vmem>> -> memref<1x64xf32, #tpu.memory_space<vmem>>
      %dma_start3A_283 = arith.constant 0 : i32
      %dma_start3A_284 = tpu.memref_slice %arg4[%squeeze3A_272, %dma_start3A_283] : memref<1000000x64xf32, #tpu.memory_space<hbm>> -> memref<1x64xf32, #tpu.memory_space<hbm>>
      tpu.enqueue_dma source(%dma_start3A_284 : memref<1x64xf32, #tpu.memory_space<hbm>>) target(%dma_start3A_282 : memref<1x64xf32, #tpu.memory_space<vmem>>) target_semaphore(%arg15 : memref<!tpu.dma_semaphore, #tpu.memory_space<semaphore_mem>>)
    }
    %scan3A_7 = arith.constant 16 : i32
    %scan3A_8 = arith.constant 0 : i32
    %scan3A_9 = arith.constant 0 : i32
    %scan3A_10 = arith.constant 16 : i32
    %scan3A_11 = arith.addi %scan3A_9, %scan3A_10 : i32
    %scan3A_12 = arith.constant 1 : i32
    scf.for %scan3A_58 = %scan3A_9 to %scan3A_11 step %scan3A_12  : i32 {
      %mul3A_59 = arith.constant 16 : i32
      %mul3A_60 = arith.muli %scan3A_58, %mul3A_59 : i32
      %add3A_61 = arith.constant 0 : i32
      %add3A_62 = arith.addi %add3A_61, %mul3A_60 : i32
      %get3A = arith.index_cast %add3A_62 : i32 to index
      %get3A_63 = tpu.vector_load %arg9[%get3A] {strides = array<i32>} : memref<512xi32, #tpu.memory_space<vmem>>, vector<16xi32>,
      %slice3A = vector.extract_strided_slice %get3A_63 {offsets = [0], sizes = [1], strides = [1]} : vector<16xi32> to vector<1xi32>
      %squeeze3A = vector.extract %slice3A[0] : i32 from vector<1xi32>
      %mul3A_64 = arith.constant 16 : i32
      %mul3A_65 = arith.muli %scan3A_58, %mul3A_64 : i32
      %add3A_66 = arith.constant 0 : i32
      %add3A_67 = arith.addi %mul3A_65, %add3A_66 : i32
      %dma_start3A = arith.constant 0 : i32
      %dma_start3A_68 = tpu.memref_slice %arg11[%add3A_67, %dma_start3A] : memref<256x64xf32, #tpu.memory_space<vmem>> -> memref<1x64xf32, #tpu.memory_space<vmem>>
      %dma_start3A_69 = arith.constant 0 : i32
      %dma_start3A_70 = tpu.memref_slice %arg5[%squeeze3A, %dma_start3A_69] : memref<1000x64xf32, #tpu.memory_space<hbm>> -> memref<1x64xf32, #tpu.memory_space<hbm>>
      %dma_start3A_71 = arith.constant 0 : i32
      %dma_start3A_72 = tpu.memref_slice %arg11[%add3A_67, %dma_start3A_71] : memref<256x64xf32, #tpu.memory_space<vmem>> -> memref<1x64xf32, #tpu.memory_space<vmem>>
      %dma_start3A_73 = arith.constant 0 : i32
      %dma_start3A_74 = tpu.memref_slice %arg5[%squeeze3A, %dma_start3A_73] : memref<1000x64xf32, #tpu.memory_space<hbm>> -> memref<1x64xf32, #tpu.memory_space<hbm>>
      tpu.enqueue_dma source(%dma_start3A_74 : memref<1x64xf32, #tpu.memory_space<hbm>>) target(%dma_start3A_72 : memref<1x64xf32, #tpu.memory_space<vmem>>) target_semaphore(%arg16 : memref<!tpu.dma_semaphore, #tpu.memory_space<semaphore_mem>>)
      %slice3A_75 = vector.extract_strided_slice %get3A_63 {offsets = [1], sizes = [1], strides = [1]} : vector<16xi32> to vector<1xi32>
      %squeeze3A_76 = vector.extract %slice3A_75[0] : i32 from vector<1xi32>
      %mul3A_77 = arith.constant 16 : i32
      %mul3A_78 = arith.muli %scan3A_58, %mul3A_77 : i32
      %add3A_79 = arith.constant 1 : i32
      %add3A_80 = arith.addi %mul3A_78, %add3A_79 : i32
      %dma_start3A_81 = arith.constant 0 : i32
      %dma_start3A_82 = tpu.memref_slice %arg11[%add3A_80, %dma_start3A_81] : memref<256x64xf32, #tpu.memory_space<vmem>> -> memref<1x64xf32, #tpu.memory_space<vmem>>
      %dma_start3A_83 = arith.constant 0 : i32
      %dma_start3A_84 = tpu.memref_slice %arg5[%squeeze3A_76, %dma_start3A_83] : memref<1000x64xf32, #tpu.memory_space<hbm>> -> memref<1x64xf32, #tpu.memory_space<hbm>>
      %dma_start3A_85 = arith.constant 0 : i32
      %dma_start3A_86 = tpu.memref_slice %arg11[%add3A_80, %dma_start3A_85] : memref<256x64xf32, #tpu.memory_space<vmem>> -> memref<1x64xf32, #tpu.memory_space<vmem>>
      %dma_start3A_87 = arith.constant 0 : i32
      %dma_start3A_88 = tpu.memref_slice %arg5[%squeeze3A_76, %dma_start3A_87] : memref<1000x64xf32, #tpu.memory_space<hbm>> -> memref<1x64xf32, #tpu.memory_space<hbm>>
      tpu.enqueue_dma source(%dma_start3A_88 : memref<1x64xf32, #tpu.memory_space<hbm>>) target(%dma_start3A_86 : memref<1x64xf32, #tpu.memory_space<vmem>>) target_semaphore(%arg17 : memref<!tpu.dma_semaphore, #tpu.memory_space<semaphore_mem>>)
      %slice3A_89 = vector.extract_strided_slice %get3A_63 {offsets = [2], sizes = [1], strides = [1]} : vector<16xi32> to vector<1xi32>
      %squeeze3A_90 = vector.extract %slice3A_89[0] : i32 from vector<1xi32>
      %mul3A_91 = arith.constant 16 : i32
      %mul3A_92 = arith.muli %scan3A_58, %mul3A_91 : i32
      %add3A_93 = arith.constant 2 : i32
      %add3A_94 = arith.addi %mul3A_92, %add3A_93 : i32
      %dma_start3A_95 = arith.constant 0 : i32
      %dma_start3A_96 = tpu.memref_slice %arg11[%add3A_94, %dma_start3A_95] : memref<256x64xf32, #tpu.memory_space<vmem>> -> memref<1x64xf32, #tpu.memory_space<vmem>>
      %dma_start3A_97 = arith.constant 0 : i32
      %dma_start3A_98 = tpu.memref_slice %arg5[%squeeze3A_90, %dma_start3A_97] : memref<1000x64xf32, #tpu.memory_space<hbm>> -> memref<1x64xf32, #tpu.memory_space<hbm>>
      %dma_start3A_99 = arith.constant 0 : i32
      %dma_start3A_100 = tpu.memref_slice %arg11[%add3A_94, %dma_start3A_99] : memref<256x64xf32, #tpu.memory_space<vmem>> -> memref<1x64xf32, #tpu.memory_space<vmem>>
      %dma_start3A_101 = arith.constant 0 : i32
      %dma_start3A_102 = tpu.memref_slice %arg5[%squeeze3A_90, %dma_start3A_101] : memref<1000x64xf32, #tpu.memory_space<hbm>> -> memref<1x64xf32, #tpu.memory_space<hbm>>
      tpu.enqueue_dma source(%dma_start3A_102 : memref<1x64xf32, #tpu.memory_space<hbm>>) target(%dma_start3A_100 : memref<1x64xf32, #tpu.memory_space<vmem>>) target_semaphore(%arg18 : memref<!tpu.dma_semaphore, #tpu.memory_space<semaphore_mem>>)
      %slice3A_103 = vector.extract_strided_slice %get3A_63 {offsets = [3], sizes = [1], strides = [1]} : vector<16xi32> to vector<1xi32>
      %squeeze3A_104 = vector.extract %slice3A_103[0] : i32 from vector<1xi32>
      %mul3A_105 = arith.constant 16 : i32
      %mul3A_106 = arith.muli %scan3A_58, %mul3A_105 : i32
      %add3A_107 = arith.constant 3 : i32
      %add3A_108 = arith.addi %mul3A_106, %add3A_107 : i32
      %dma_start3A_109 = arith.constant 0 : i32
      %dma_start3A_110 = tpu.memref_slice %arg11[%add3A_108, %dma_start3A_109] : memref<256x64xf32, #tpu.memory_space<vmem>> -> memref<1x64xf32, #tpu.memory_space<vmem>>
      %dma_start3A_111 = arith.constant 0 : i32
      %dma_start3A_112 = tpu.memref_slice %arg5[%squeeze3A_104, %dma_start3A_111] : memref<1000x64xf32, #tpu.memory_space<hbm>> -> memref<1x64xf32, #tpu.memory_space<hbm>>
      %dma_start3A_113 = arith.constant 0 : i32
      %dma_start3A_114 = tpu.memref_slice %arg11[%add3A_108, %dma_start3A_113] : memref<256x64xf32, #tpu.memory_space<vmem>> -> memref<1x64xf32, #tpu.memory_space<vmem>>
      %dma_start3A_115 = arith.constant 0 : i32
      %dma_start3A_116 = tpu.memref_slice %arg5[%squeeze3A_104, %dma_start3A_115] : memref<1000x64xf32, #tpu.memory_space<hbm>> -> memref<1x64xf32, #tpu.memory_space<hbm>>
      tpu.enqueue_dma source(%dma_start3A_116 : memref<1x64xf32, #tpu.memory_space<hbm>>) target(%dma_start3A_114 : memref<1x64xf32, #tpu.memory_space<vmem>>) target_semaphore(%arg19 : memref<!tpu.dma_semaphore, #tpu.memory_space<semaphore_mem>>)
      %slice3A_117 = vector.extract_strided_slice %get3A_63 {offsets = [4], sizes = [1], strides = [1]} : vector<16xi32> to vector<1xi32>
      %squeeze3A_118 = vector.extract %slice3A_117[0] : i32 from vector<1xi32>
      %mul3A_119 = arith.constant 16 : i32
      %mul3A_120 = arith.muli %scan3A_58, %mul3A_119 : i32
      %add3A_121 = arith.constant 4 : i32
      %add3A_122 = arith.addi %mul3A_120, %add3A_121 : i32
      %dma_start3A_123 = arith.constant 0 : i32
      %dma_start3A_124 = tpu.memref_slice %arg11[%add3A_122, %dma_start3A_123] : memref<256x64xf32, #tpu.memory_space<vmem>> -> memref<1x64xf32, #tpu.memory_space<vmem>>
      %dma_start3A_125 = arith.constant 0 : i32
      %dma_start3A_126 = tpu.memref_slice %arg5[%squeeze3A_118, %dma_start3A_125] : memref<1000x64xf32, #tpu.memory_space<hbm>> -> memref<1x64xf32, #tpu.memory_space<hbm>>
      %dma_start3A_127 = arith.constant 0 : i32
      %dma_start3A_128 = tpu.memref_slice %arg11[%add3A_122, %dma_start3A_127] : memref<256x64xf32, #tpu.memory_space<vmem>> -> memref<1x64xf32, #tpu.memory_space<vmem>>
      %dma_start3A_129 = arith.constant 0 : i32
      %dma_start3A_130 = tpu.memref_slice %arg5[%squeeze3A_118, %dma_start3A_129] : memref<1000x64xf32, #tpu.memory_space<hbm>> -> memref<1x64xf32, #tpu.memory_space<hbm>>
      tpu.enqueue_dma source(%dma_start3A_130 : memref<1x64xf32, #tpu.memory_space<hbm>>) target(%dma_start3A_128 : memref<1x64xf32, #tpu.memory_space<vmem>>) target_semaphore(%arg16 : memref<!tpu.dma_semaphore, #tpu.memory_space<semaphore_mem>>)
      %slice3A_131 = vector.extract_strided_slice %get3A_63 {offsets = [5], sizes = [1], strides = [1]} : vector<16xi32> to vector<1xi32>
      %squeeze3A_132 = vector.extract %slice3A_131[0] : i32 from vector<1xi32>
      %mul3A_133 = arith.constant 16 : i32
      %mul3A_134 = arith.muli %scan3A_58, %mul3A_133 : i32
      %add3A_135 = arith.constant 5 : i32
      %add3A_136 = arith.addi %mul3A_134, %add3A_135 : i32
      %dma_start3A_137 = arith.constant 0 : i32
      %dma_start3A_138 = tpu.memref_slice %arg11[%add3A_136, %dma_start3A_137] : memref<256x64xf32, #tpu.memory_space<vmem>> -> memref<1x64xf32, #tpu.memory_space<vmem>>
      %dma_start3A_139 = arith.constant 0 : i32
      %dma_start3A_140 = tpu.memref_slice %arg5[%squeeze3A_132, %dma_start3A_139] : memref<1000x64xf32, #tpu.memory_space<hbm>> -> memref<1x64xf32, #tpu.memory_space<hbm>>
      %dma_start3A_141 = arith.constant 0 : i32
      %dma_start3A_142 = tpu.memref_slice %arg11[%add3A_136, %dma_start3A_141] : memref<256x64xf32, #tpu.memory_space<vmem>> -> memref<1x64xf32, #tpu.memory_space<vmem>>
      %dma_start3A_143 = arith.constant 0 : i32
      %dma_start3A_144 = tpu.memref_slice %arg5[%squeeze3A_132, %dma_start3A_143] : memref<1000x64xf32, #tpu.memory_space<hbm>> -> memref<1x64xf32, #tpu.memory_space<hbm>>
      tpu.enqueue_dma source(%dma_start3A_144 : memref<1x64xf32, #tpu.memory_space<hbm>>) target(%dma_start3A_142 : memref<1x64xf32, #tpu.memory_space<vmem>>) target_semaphore(%arg17 : memref<!tpu.dma_semaphore, #tpu.memory_space<semaphore_mem>>)
      %slice3A_145 = vector.extract_strided_slice %get3A_63 {offsets = [6], sizes = [1], strides = [1]} : vector<16xi32> to vector<1xi32>
      %squeeze3A_146 = vector.extract %slice3A_145[0] : i32 from vector<1xi32>
      %mul3A_147 = arith.constant 16 : i32
      %mul3A_148 = arith.muli %scan3A_58, %mul3A_147 : i32
      %add3A_149 = arith.constant 6 : i32
      %add3A_150 = arith.addi %mul3A_148, %add3A_149 : i32
      %dma_start3A_151 = arith.constant 0 : i32
      %dma_start3A_152 = tpu.memref_slice %arg11[%add3A_150, %dma_start3A_151] : memref<256x64xf32, #tpu.memory_space<vmem>> -> memref<1x64xf32, #tpu.memory_space<vmem>>
      %dma_start3A_153 = arith.constant 0 : i32
      %dma_start3A_154 = tpu.memref_slice %arg5[%squeeze3A_146, %dma_start3A_153] : memref<1000x64xf32, #tpu.memory_space<hbm>> -> memref<1x64xf32, #tpu.memory_space<hbm>>
      %dma_start3A_155 = arith.constant 0 : i32
      %dma_start3A_156 = tpu.memref_slice %arg11[%add3A_150, %dma_start3A_155] : memref<256x64xf32, #tpu.memory_space<vmem>> -> memref<1x64xf32, #tpu.memory_space<vmem>>
      %dma_start3A_157 = arith.constant 0 : i32
      %dma_start3A_158 = tpu.memref_slice %arg5[%squeeze3A_146, %dma_start3A_157] : memref<1000x64xf32, #tpu.memory_space<hbm>> -> memref<1x64xf32, #tpu.memory_space<hbm>>
      tpu.enqueue_dma source(%dma_start3A_158 : memref<1x64xf32, #tpu.memory_space<hbm>>) target(%dma_start3A_156 : memref<1x64xf32, #tpu.memory_space<vmem>>) target_semaphore(%arg18 : memref<!tpu.dma_semaphore, #tpu.memory_space<semaphore_mem>>)
      %slice3A_159 = vector.extract_strided_slice %get3A_63 {offsets = [7], sizes = [1], strides = [1]} : vector<16xi32> to vector<1xi32>
      %squeeze3A_160 = vector.extract %slice3A_159[0] : i32 from vector<1xi32>
      %mul3A_161 = arith.constant 16 : i32
      %mul3A_162 = arith.muli %scan3A_58, %mul3A_161 : i32
      %add3A_163 = arith.constant 7 : i32
      %add3A_164 = arith.addi %mul3A_162, %add3A_163 : i32
      %dma_start3A_165 = arith.constant 0 : i32
      %dma_start3A_166 = tpu.memref_slice %arg11[%add3A_164, %dma_start3A_165] : memref<256x64xf32, #tpu.memory_space<vmem>> -> memref<1x64xf32, #tpu.memory_space<vmem>>
      %dma_start3A_167 = arith.constant 0 : i32
      %dma_start3A_168 = tpu.memref_slice %arg5[%squeeze3A_160, %dma_start3A_167] : memref<1000x64xf32, #tpu.memory_space<hbm>> -> memref<1x64xf32, #tpu.memory_space<hbm>>
      %dma_start3A_169 = arith.constant 0 : i32
      %dma_start3A_170 = tpu.memref_slice %arg11[%add3A_164, %dma_start3A_169] : memref<256x64xf32, #tpu.memory_space<vmem>> -> memref<1x64xf32, #tpu.memory_space<vmem>>
      %dma_start3A_171 = arith.constant 0 : i32
      %dma_start3A_172 = tpu.memref_slice %arg5[%squeeze3A_160, %dma_start3A_171] : memref<1000x64xf32, #tpu.memory_space<hbm>> -> memref<1x64xf32, #tpu.memory_space<hbm>>
      tpu.enqueue_dma source(%dma_start3A_172 : memref<1x64xf32, #tpu.memory_space<hbm>>) target(%dma_start3A_170 : memref<1x64xf32, #tpu.memory_space<vmem>>) target_semaphore(%arg19 : memref<!tpu.dma_semaphore, #tpu.memory_space<semaphore_mem>>)
      %slice3A_173 = vector.extract_strided_slice %get3A_63 {offsets = [8], sizes = [1], strides = [1]} : vector<16xi32> to vector<1xi32>
      %squeeze3A_174 = vector.extract %slice3A_173[0] : i32 from vector<1xi32>
      %mul3A_175 = arith.constant 16 : i32
      %mul3A_176 = arith.muli %scan3A_58, %mul3A_175 : i32
      %add3A_177 = arith.constant 8 : i32
      %add3A_178 = arith.addi %mul3A_176, %add3A_177 : i32
      %dma_start3A_179 = arith.constant 0 : i32
      %dma_start3A_180 = tpu.memref_slice %arg11[%add3A_178, %dma_start3A_179] : memref<256x64xf32, #tpu.memory_space<vmem>> -> memref<1x64xf32, #tpu.memory_space<vmem>>
      %dma_start3A_181 = arith.constant 0 : i32
      %dma_start3A_182 = tpu.memref_slice %arg5[%squeeze3A_174, %dma_start3A_181] : memref<1000x64xf32, #tpu.memory_space<hbm>> -> memref<1x64xf32, #tpu.memory_space<hbm>>
      %dma_start3A_183 = arith.constant 0 : i32
      %dma_start3A_184 = tpu.memref_slice %arg11[%add3A_178, %dma_start3A_183] : memref<256x64xf32, #tpu.memory_space<vmem>> -> memref<1x64xf32, #tpu.memory_space<vmem>>
      %dma_start3A_185 = arith.constant 0 : i32
      %dma_start3A_186 = tpu.memref_slice %arg5[%squeeze3A_174, %dma_start3A_185] : memref<1000x64xf32, #tpu.memory_space<hbm>> -> memref<1x64xf32, #tpu.memory_space<hbm>>
      tpu.enqueue_dma source(%dma_start3A_186 : memref<1x64xf32, #tpu.memory_space<hbm>>) target(%dma_start3A_184 : memref<1x64xf32, #tpu.memory_space<vmem>>) target_semaphore(%arg16 : memref<!tpu.dma_semaphore, #tpu.memory_space<semaphore_mem>>)
      %slice3A_187 = vector.extract_strided_slice %get3A_63 {offsets = [9], sizes = [1], strides = [1]} : vector<16xi32> to vector<1xi32>
      %squeeze3A_188 = vector.extract %slice3A_187[0] : i32 from vector<1xi32>
      %mul3A_189 = arith.constant 16 : i32
      %mul3A_190 = arith.muli %scan3A_58, %mul3A_189 : i32
      %add3A_191 = arith.constant 9 : i32
      %add3A_192 = arith.addi %mul3A_190, %add3A_191 : i32
      %dma_start3A_193 = arith.constant 0 : i32
      %dma_start3A_194 = tpu.memref_slice %arg11[%add3A_192, %dma_start3A_193] : memref<256x64xf32, #tpu.memory_space<vmem>> -> memref<1x64xf32, #tpu.memory_space<vmem>>
      %dma_start3A_195 = arith.constant 0 : i32
      %dma_start3A_196 = tpu.memref_slice %arg5[%squeeze3A_188, %dma_start3A_195] : memref<1000x64xf32, #tpu.memory_space<hbm>> -> memref<1x64xf32, #tpu.memory_space<hbm>>
      %dma_start3A_197 = arith.constant 0 : i32
      %dma_start3A_198 = tpu.memref_slice %arg11[%add3A_192, %dma_start3A_197] : memref<256x64xf32, #tpu.memory_space<vmem>> -> memref<1x64xf32, #tpu.memory_space<vmem>>
      %dma_start3A_199 = arith.constant 0 : i32
      %dma_start3A_200 = tpu.memref_slice %arg5[%squeeze3A_188, %dma_start3A_199] : memref<1000x64xf32, #tpu.memory_space<hbm>> -> memref<1x64xf32, #tpu.memory_space<hbm>>
      tpu.enqueue_dma source(%dma_start3A_200 : memref<1x64xf32, #tpu.memory_space<hbm>>) target(%dma_start3A_198 : memref<1x64xf32, #tpu.memory_space<vmem>>) target_semaphore(%arg17 : memref<!tpu.dma_semaphore, #tpu.memory_space<semaphore_mem>>)
      %slice3A_201 = vector.extract_strided_slice %get3A_63 {offsets = [10], sizes = [1], strides = [1]} : vector<16xi32> to vector<1xi32>
      %squeeze3A_202 = vector.extract %slice3A_201[0] : i32 from vector<1xi32>
      %mul3A_203 = arith.constant 16 : i32
      %mul3A_204 = arith.muli %scan3A_58, %mul3A_203 : i32
      %add3A_205 = arith.constant 10 : i32
      %add3A_206 = arith.addi %mul3A_204, %add3A_205 : i32
      %dma_start3A_207 = arith.constant 0 : i32
      %dma_start3A_208 = tpu.memref_slice %arg11[%add3A_206, %dma_start3A_207] : memref<256x64xf32, #tpu.memory_space<vmem>> -> memref<1x64xf32, #tpu.memory_space<vmem>>
      %dma_start3A_209 = arith.constant 0 : i32
      %dma_start3A_210 = tpu.memref_slice %arg5[%squeeze3A_202, %dma_start3A_209] : memref<1000x64xf32, #tpu.memory_space<hbm>> -> memref<1x64xf32, #tpu.memory_space<hbm>>
      %dma_start3A_211 = arith.constant 0 : i32
      %dma_start3A_212 = tpu.memref_slice %arg11[%add3A_206, %dma_start3A_211] : memref<256x64xf32, #tpu.memory_space<vmem>> -> memref<1x64xf32, #tpu.memory_space<vmem>>
      %dma_start3A_213 = arith.constant 0 : i32
      %dma_start3A_214 = tpu.memref_slice %arg5[%squeeze3A_202, %dma_start3A_213] : memref<1000x64xf32, #tpu.memory_space<hbm>> -> memref<1x64xf32, #tpu.memory_space<hbm>>
      tpu.enqueue_dma source(%dma_start3A_214 : memref<1x64xf32, #tpu.memory_space<hbm>>) target(%dma_start3A_212 : memref<1x64xf32, #tpu.memory_space<vmem>>) target_semaphore(%arg18 : memref<!tpu.dma_semaphore, #tpu.memory_space<semaphore_mem>>)
      %slice3A_215 = vector.extract_strided_slice %get3A_63 {offsets = [11], sizes = [1], strides = [1]} : vector<16xi32> to vector<1xi32>
      %squeeze3A_216 = vector.extract %slice3A_215[0] : i32 from vector<1xi32>
      %mul3A_217 = arith.constant 16 : i32
      %mul3A_218 = arith.muli %scan3A_58, %mul3A_217 : i32
      %add3A_219 = arith.constant 11 : i32
      %add3A_220 = arith.addi %mul3A_218, %add3A_219 : i32
      %dma_start3A_221 = arith.constant 0 : i32
      %dma_start3A_222 = tpu.memref_slice %arg11[%add3A_220, %dma_start3A_221] : memref<256x64xf32, #tpu.memory_space<vmem>> -> memref<1x64xf32, #tpu.memory_space<vmem>>
      %dma_start3A_223 = arith.constant 0 : i32
      %dma_start3A_224 = tpu.memref_slice %arg5[%squeeze3A_216, %dma_start3A_223] : memref<1000x64xf32, #tpu.memory_space<hbm>> -> memref<1x64xf32, #tpu.memory_space<hbm>>
      %dma_start3A_225 = arith.constant 0 : i32
      %dma_start3A_226 = tpu.memref_slice %arg11[%add3A_220, %dma_start3A_225] : memref<256x64xf32, #tpu.memory_space<vmem>> -> memref<1x64xf32, #tpu.memory_space<vmem>>
      %dma_start3A_227 = arith.constant 0 : i32
      %dma_start3A_228 = tpu.memref_slice %arg5[%squeeze3A_216, %dma_start3A_227] : memref<1000x64xf32, #tpu.memory_space<hbm>> -> memref<1x64xf32, #tpu.memory_space<hbm>>
      tpu.enqueue_dma source(%dma_start3A_228 : memref<1x64xf32, #tpu.memory_space<hbm>>) target(%dma_start3A_226 : memref<1x64xf32, #tpu.memory_space<vmem>>) target_semaphore(%arg19 : memref<!tpu.dma_semaphore, #tpu.memory_space<semaphore_mem>>)
      %slice3A_229 = vector.extract_strided_slice %get3A_63 {offsets = [12], sizes = [1], strides = [1]} : vector<16xi32> to vector<1xi32>
      %squeeze3A_230 = vector.extract %slice3A_229[0] : i32 from vector<1xi32>
      %mul3A_231 = arith.constant 16 : i32
      %mul3A_232 = arith.muli %scan3A_58, %mul3A_231 : i32
      %add3A_233 = arith.constant 12 : i32
      %add3A_234 = arith.addi %mul3A_232, %add3A_233 : i32
      %dma_start3A_235 = arith.constant 0 : i32
      %dma_start3A_236 = tpu.memref_slice %arg11[%add3A_234, %dma_start3A_235] : memref<256x64xf32, #tpu.memory_space<vmem>> -> memref<1x64xf32, #tpu.memory_space<vmem>>
      %dma_start3A_237 = arith.constant 0 : i32
      %dma_start3A_238 = tpu.memref_slice %arg5[%squeeze3A_230, %dma_start3A_237] : memref<1000x64xf32, #tpu.memory_space<hbm>> -> memref<1x64xf32, #tpu.memory_space<hbm>>
      %dma_start3A_239 = arith.constant 0 : i32
      %dma_start3A_240 = tpu.memref_slice %arg11[%add3A_234, %dma_start3A_239] : memref<256x64xf32, #tpu.memory_space<vmem>> -> memref<1x64xf32, #tpu.memory_space<vmem>>
      %dma_start3A_241 = arith.constant 0 : i32
      %dma_start3A_242 = tpu.memref_slice %arg5[%squeeze3A_230, %dma_start3A_241] : memref<1000x64xf32, #tpu.memory_space<hbm>> -> memref<1x64xf32, #tpu.memory_space<hbm>>
      tpu.enqueue_dma source(%dma_start3A_242 : memref<1x64xf32, #tpu.memory_space<hbm>>) target(%dma_start3A_240 : memref<1x64xf32, #tpu.memory_space<vmem>>) target_semaphore(%arg16 : memref<!tpu.dma_semaphore, #tpu.memory_space<semaphore_mem>>)
      %slice3A_243 = vector.extract_strided_slice %get3A_63 {offsets = [13], sizes = [1], strides = [1]} : vector<16xi32> to vector<1xi32>
      %squeeze3A_244 = vector.extract %slice3A_243[0] : i32 from vector<1xi32>
      %mul3A_245 = arith.constant 16 : i32
      %mul3A_246 = arith.muli %scan3A_58, %mul3A_245 : i32
      %add3A_247 = arith.constant 13 : i32
      %add3A_248 = arith.addi %mul3A_246, %add3A_247 : i32
      %dma_start3A_249 = arith.constant 0 : i32
      %dma_start3A_250 = tpu.memref_slice %arg11[%add3A_248, %dma_start3A_249] : memref<256x64xf32, #tpu.memory_space<vmem>> -> memref<1x64xf32, #tpu.memory_space<vmem>>
      %dma_start3A_251 = arith.constant 0 : i32
      %dma_start3A_252 = tpu.memref_slice %arg5[%squeeze3A_244, %dma_start3A_251] : memref<1000x64xf32, #tpu.memory_space<hbm>> -> memref<1x64xf32, #tpu.memory_space<hbm>>
      %dma_start3A_253 = arith.constant 0 : i32
      %dma_start3A_254 = tpu.memref_slice %arg11[%add3A_248, %dma_start3A_253] : memref<256x64xf32, #tpu.memory_space<vmem>> -> memref<1x64xf32, #tpu.memory_space<vmem>>
      %dma_start3A_255 = arith.constant 0 : i32
      %dma_start3A_256 = tpu.memref_slice %arg5[%squeeze3A_244, %dma_start3A_255] : memref<1000x64xf32, #tpu.memory_space<hbm>> -> memref<1x64xf32, #tpu.memory_space<hbm>>
      tpu.enqueue_dma source(%dma_start3A_256 : memref<1x64xf32, #tpu.memory_space<hbm>>) target(%dma_start3A_254 : memref<1x64xf32, #tpu.memory_space<vmem>>) target_semaphore(%arg17 : memref<!tpu.dma_semaphore, #tpu.memory_space<semaphore_mem>>)
      %slice3A_257 = vector.extract_strided_slice %get3A_63 {offsets = [14], sizes = [1], strides = [1]} : vector<16xi32> to vector<1xi32>
      %squeeze3A_258 = vector.extract %slice3A_257[0] : i32 from vector<1xi32>
      %mul3A_259 = arith.constant 16 : i32
      %mul3A_260 = arith.muli %scan3A_58, %mul3A_259 : i32
      %add3A_261 = arith.constant 14 : i32
      %add3A_262 = arith.addi %mul3A_260, %add3A_261 : i32
      %dma_start3A_263 = arith.constant 0 : i32
      %dma_start3A_264 = tpu.memref_slice %arg11[%add3A_262, %dma_start3A_263] : memref<256x64xf32, #tpu.memory_space<vmem>> -> memref<1x64xf32, #tpu.memory_space<vmem>>
      %dma_start3A_265 = arith.constant 0 : i32
      %dma_start3A_266 = tpu.memref_slice %arg5[%squeeze3A_258, %dma_start3A_265] : memref<1000x64xf32, #tpu.memory_space<hbm>> -> memref<1x64xf32, #tpu.memory_space<hbm>>
      %dma_start3A_267 = arith.constant 0 : i32
      %dma_start3A_268 = tpu.memref_slice %arg11[%add3A_262, %dma_start3A_267] : memref<256x64xf32, #tpu.memory_space<vmem>> -> memref<1x64xf32, #tpu.memory_space<vmem>>
      %dma_start3A_269 = arith.constant 0 : i32
      %dma_start3A_270 = tpu.memref_slice %arg5[%squeeze3A_258, %dma_start3A_269] : memref<1000x64xf32, #tpu.memory_space<hbm>> -> memref<1x64xf32, #tpu.memory_space<hbm>>
      tpu.enqueue_dma source(%dma_start3A_270 : memref<1x64xf32, #tpu.memory_space<hbm>>) target(%dma_start3A_268 : memref<1x64xf32, #tpu.memory_space<vmem>>) target_semaphore(%arg18 : memref<!tpu.dma_semaphore, #tpu.memory_space<semaphore_mem>>)
      %slice3A_271 = vector.extract_strided_slice %get3A_63 {offsets = [15], sizes = [1], strides = [1]} : vector<16xi32> to vector<1xi32>
      %squeeze3A_272 = vector.extract %slice3A_271[0] : i32 from vector<1xi32>
      %mul3A_273 = arith.constant 16 : i32
      %mul3A_274 = arith.muli %scan3A_58, %mul3A_273 : i32
      %add3A_275 = arith.constant 15 : i32
      %add3A_276 = arith.addi %mul3A_274, %add3A_275 : i32
      %dma_start3A_277 = arith.constant 0 : i32
      %dma_start3A_278 = tpu.memref_slice %arg11[%add3A_276, %dma_start3A_277] : memref<256x64xf32, #tpu.memory_space<vmem>> -> memref<1x64xf32, #tpu.memory_space<vmem>>
      %dma_start3A_279 = arith.constant 0 : i32
      %dma_start3A_280 = tpu.memref_slice %arg5[%squeeze3A_272, %dma_start3A_279] : memref<1000x64xf32, #tpu.memory_space<hbm>> -> memref<1x64xf32, #tpu.memory_space<hbm>>
      %dma_start3A_281 = arith.constant 0 : i32
      %dma_start3A_282 = tpu.memref_slice %arg11[%add3A_276, %dma_start3A_281] : memref<256x64xf32, #tpu.memory_space<vmem>> -> memref<1x64xf32, #tpu.memory_space<vmem>>
      %dma_start3A_283 = arith.constant 0 : i32
      %dma_start3A_284 = tpu.memref_slice %arg5[%squeeze3A_272, %dma_start3A_283] : memref<1000x64xf32, #tpu.memory_space<hbm>> -> memref<1x64xf32, #tpu.memory_space<hbm>>
      tpu.enqueue_dma source(%dma_start3A_284 : memref<1x64xf32, #tpu.memory_space<hbm>>) target(%dma_start3A_282 : memref<1x64xf32, #tpu.memory_space<vmem>>) target_semaphore(%arg19 : memref<!tpu.dma_semaphore, #tpu.memory_space<semaphore_mem>>)
    }
    %scan3A_13 = arith.constant 16 : i32
    %scan3A_14 = arith.constant 0 : i32
    %scan3A_15 = arith.constant 0 : i32
    %scan3A_16 = arith.constant 64 : i32
    %scan3A_17 = arith.addi %scan3A_15, %scan3A_16 : i32
    %scan3A_18 = arith.constant 1 : i32
    scf.for %scan3A_58 = %scan3A_15 to %scan3A_17 step %scan3A_18  : i32 {
      %dma_wait3A = arith.constant 0 : i32
      %dma_wait3A_59 = tpu.memref_slice %arg10[%scan3A_58, %dma_wait3A] : memref<256x64xf32, #tpu.memory_space<vmem>> -> memref<1x64xf32, #tpu.memory_space<vmem>>
      %dma_wait3A_60 = arith.constant 0 : i32
      %dma_wait3A_61 = arith.constant 0 : i32
      %dma_wait3A_62 = tpu.memref_slice %arg4[%dma_wait3A_60, %dma_wait3A_61] : memref<1000000x64xf32, #tpu.memory_space<hbm>> -> memref<1x64xf32, #tpu.memory_space<hbm>>
      %dma_wait3A_63 = arith.constant 0 : i32
      %dma_wait3A_64 = tpu.memref_slice %arg10[%scan3A_58, %dma_wait3A_63] : memref<256x64xf32, #tpu.memory_space<vmem>> -> memref<1x64xf32, #tpu.memory_space<vmem>>
      %dma_wait3A_65 = arith.constant 0 : i32
      %dma_wait3A_66 = arith.constant 0 : i32
      %dma_wait3A_67 = tpu.memref_slice %arg4[%dma_wait3A_65, %dma_wait3A_66] : memref<1000000x64xf32, #tpu.memory_space<hbm>> -> memref<1x64xf32, #tpu.memory_space<hbm>>
      tpu.wait_dma2 semaphore(%arg12 : memref<!tpu.dma_semaphore, #tpu.memory_space<semaphore_mem>>) src(%dma_wait3A_67 : memref<1x64xf32, #tpu.memory_space<hbm>>) dst(%dma_wait3A_64 : memref<1x64xf32, #tpu.memory_space<vmem>>)
      %dma_wait3A_68 = arith.constant 0 : i32
      %dma_wait3A_69 = tpu.memref_slice %arg10[%scan3A_58, %dma_wait3A_68] : memref<256x64xf32, #tpu.memory_space<vmem>> -> memref<1x64xf32, #tpu.memory_space<vmem>>
      %dma_wait3A_70 = arith.constant 0 : i32
      %dma_wait3A_71 = arith.constant 0 : i32
      %dma_wait3A_72 = tpu.memref_slice %arg4[%dma_wait3A_70, %dma_wait3A_71] : memref<1000000x64xf32, #tpu.memory_space<hbm>> -> memref<1x64xf32, #tpu.memory_space<hbm>>
      %dma_wait3A_73 = arith.constant 0 : i32
      %dma_wait3A_74 = tpu.memref_slice %arg10[%scan3A_58, %dma_wait3A_73] : memref<256x64xf32, #tpu.memory_space<vmem>> -> memref<1x64xf32, #tpu.memory_space<vmem>>
      %dma_wait3A_75 = arith.constant 0 : i32
      %dma_wait3A_76 = arith.constant 0 : i32
      %dma_wait3A_77 = tpu.memref_slice %arg4[%dma_wait3A_75, %dma_wait3A_76] : memref<1000000x64xf32, #tpu.memory_space<hbm>> -> memref<1x64xf32, #tpu.memory_space<hbm>>
      tpu.wait_dma2 semaphore(%arg13 : memref<!tpu.dma_semaphore, #tpu.memory_space<semaphore_mem>>) src(%dma_wait3A_77 : memref<1x64xf32, #tpu.memory_space<hbm>>) dst(%dma_wait3A_74 : memref<1x64xf32, #tpu.memory_space<vmem>>)
      %dma_wait3A_78 = arith.constant 0 : i32
      %dma_wait3A_79 = tpu.memref_slice %arg10[%scan3A_58, %dma_wait3A_78] : memref<256x64xf32, #tpu.memory_space<vmem>> -> memref<1x64xf32, #tpu.memory_space<vmem>>
      %dma_wait3A_80 = arith.constant 0 : i32
      %dma_wait3A_81 = arith.constant 0 : i32
      %dma_wait3A_82 = tpu.memref_slice %arg4[%dma_wait3A_80, %dma_wait3A_81] : memref<1000000x64xf32, #tpu.memory_space<hbm>> -> memref<1x64xf32, #tpu.memory_space<hbm>>
      %dma_wait3A_83 = arith.constant 0 : i32
      %dma_wait3A_84 = tpu.memref_slice %arg10[%scan3A_58, %dma_wait3A_83] : memref<256x64xf32, #tpu.memory_space<vmem>> -> memref<1x64xf32, #tpu.memory_space<vmem>>
      %dma_wait3A_85 = arith.constant 0 : i32
      %dma_wait3A_86 = arith.constant 0 : i32
      %dma_wait3A_87 = tpu.memref_slice %arg4[%dma_wait3A_85, %dma_wait3A_86] : memref<1000000x64xf32, #tpu.memory_space<hbm>> -> memref<1x64xf32, #tpu.memory_space<hbm>>
      tpu.wait_dma2 semaphore(%arg14 : memref<!tpu.dma_semaphore, #tpu.memory_space<semaphore_mem>>) src(%dma_wait3A_87 : memref<1x64xf32, #tpu.memory_space<hbm>>) dst(%dma_wait3A_84 : memref<1x64xf32, #tpu.memory_space<vmem>>)
      %dma_wait3A_88 = arith.constant 0 : i32
      %dma_wait3A_89 = tpu.memref_slice %arg10[%scan3A_58, %dma_wait3A_88] : memref<256x64xf32, #tpu.memory_space<vmem>> -> memref<1x64xf32, #tpu.memory_space<vmem>>
      %dma_wait3A_90 = arith.constant 0 : i32
      %dma_wait3A_91 = arith.constant 0 : i32
      %dma_wait3A_92 = tpu.memref_slice %arg4[%dma_wait3A_90, %dma_wait3A_91] : memref<1000000x64xf32, #tpu.memory_space<hbm>> -> memref<1x64xf32, #tpu.memory_space<hbm>>
      %dma_wait3A_93 = arith.constant 0 : i32
      %dma_wait3A_94 = tpu.memref_slice %arg10[%scan3A_58, %dma_wait3A_93] : memref<256x64xf32, #tpu.memory_space<vmem>> -> memref<1x64xf32, #tpu.memory_space<vmem>>
      %dma_wait3A_95 = arith.constant 0 : i32
      %dma_wait3A_96 = arith.constant 0 : i32
      %dma_wait3A_97 = tpu.memref_slice %arg4[%dma_wait3A_95, %dma_wait3A_96] : memref<1000000x64xf32, #tpu.memory_space<hbm>> -> memref<1x64xf32, #tpu.memory_space<hbm>>
      tpu.wait_dma2 semaphore(%arg15 : memref<!tpu.dma_semaphore, #tpu.memory_space<semaphore_mem>>) src(%dma_wait3A_97 : memref<1x64xf32, #tpu.memory_space<hbm>>) dst(%dma_wait3A_94 : memref<1x64xf32, #tpu.memory_space<vmem>>)
    }
    %scan3A_19 = arith.constant 64 : i32
    %add3A_20 = arith.constant 0 : i32
    %add3A_21 = arith.addi %mul3A_2, %add3A_20 : i32
    "tpu.region"() ({
      %run_scoped3A = tpu.sem_alloc : memref<!tpu.dma_semaphore, #tpu.memory_space<semaphore_mem>>
      %dma_start3A = arith.constant 0 : i32
      %dma_start3A_58 = tpu.memref_slice %arg6[%add3A_21, %dma_start3A] : memref<16384x64xf32, #tpu.memory_space<hbm>> -> memref<256x64xf32, #tpu.memory_space<hbm>>
      %dma_start3A_59 = arith.constant 0 : i32
      %dma_start3A_60 = tpu.memref_slice %arg6[%add3A_21, %dma_start3A_59] : memref<16384x64xf32, #tpu.memory_space<hbm>> -> memref<256x64xf32, #tpu.memory_space<hbm>>
      tpu.enqueue_dma source(%arg10 : memref<256x64xf32, #tpu.memory_space<vmem>>) target(%dma_start3A_60 : memref<256x64xf32, #tpu.memory_space<hbm>>) target_semaphore(%run_scoped3A : memref<!tpu.dma_semaphore, #tpu.memory_space<semaphore_mem>>)
      %dma_wait3A = arith.constant 0 : i32
      %dma_wait3A_61 = tpu.memref_slice %arg6[%add3A_21, %dma_wait3A] : memref<16384x64xf32, #tpu.memory_space<hbm>> -> memref<256x64xf32, #tpu.memory_space<hbm>>
      %dma_wait3A_62 = arith.constant 0 : i32
      %dma_wait3A_63 = tpu.memref_slice %arg6[%add3A_21, %dma_wait3A_62] : memref<16384x64xf32, #tpu.memory_space<hbm>> -> memref<256x64xf32, #tpu.memory_space<hbm>>
      tpu.wait_dma2 semaphore(%run_scoped3A : memref<!tpu.dma_semaphore, #tpu.memory_space<semaphore_mem>>) src(%arg10 : memref<256x64xf32, #tpu.memory_space<vmem>>) dst(%dma_wait3A_63 : memref<256x64xf32, #tpu.memory_space<hbm>>)
      tpu.yield
    }) : () -> ()
    %scan3A_22 = arith.constant 0 : i32
    %scan3A_23 = arith.constant 0 : i32
    %scan3A_24 = arith.constant 64 : i32
    %scan3A_25 = arith.addi %scan3A_23, %scan3A_24 : i32
    %scan3A_26 = arith.constant 1 : i32
    scf.for %scan3A_58 = %scan3A_23 to %scan3A_25 step %scan3A_26  : i32 {
      %dma_wait3A = arith.constant 0 : i32
      %dma_wait3A_59 = tpu.memref_slice %arg11[%scan3A_58, %dma_wait3A] : memref<256x64xf32, #tpu.memory_space<vmem>> -> memref<1x64xf32, #tpu.memory_space<vmem>>
      %dma_wait3A_60 = arith.constant 0 : i32
      %dma_wait3A_61 = arith.constant 0 : i32
      %dma_wait3A_62 = tpu.memref_slice %arg5[%dma_wait3A_60, %dma_wait3A_61] : memref<1000x64xf32, #tpu.memory_space<hbm>> -> memref<1x64xf32, #tpu.memory_space<hbm>>
      %dma_wait3A_63 = arith.constant 0 : i32
      %dma_wait3A_64 = tpu.memref_slice %arg11[%scan3A_58, %dma_wait3A_63] : memref<256x64xf32, #tpu.memory_space<vmem>> -> memref<1x64xf32, #tpu.memory_space<vmem>>
      %dma_wait3A_65 = arith.constant 0 : i32
      %dma_wait3A_66 = arith.constant 0 : i32
      %dma_wait3A_67 = tpu.memref_slice %arg5[%dma_wait3A_65, %dma_wait3A_66] : memref<1000x64xf32, #tpu.memory_space<hbm>> -> memref<1x64xf32, #tpu.memory_space<hbm>>
      tpu.wait_dma2 semaphore(%arg16 : memref<!tpu.dma_semaphore, #tpu.memory_space<semaphore_mem>>) src(%dma_wait3A_67 : memref<1x64xf32, #tpu.memory_space<hbm>>) dst(%dma_wait3A_64 : memref<1x64xf32, #tpu.memory_space<vmem>>)
      %dma_wait3A_68 = arith.constant 0 : i32
      %dma_wait3A_69 = tpu.memref_slice %arg11[%scan3A_58, %dma_wait3A_68] : memref<256x64xf32, #tpu.memory_space<vmem>> -> memref<1x64xf32, #tpu.memory_space<vmem>>
      %dma_wait3A_70 = arith.constant 0 : i32
      %dma_wait3A_71 = arith.constant 0 : i32
      %dma_wait3A_72 = tpu.memref_slice %arg5[%dma_wait3A_70, %dma_wait3A_71] : memref<1000x64xf32, #tpu.memory_space<hbm>> -> memref<1x64xf32, #tpu.memory_space<hbm>>
      %dma_wait3A_73 = arith.constant 0 : i32
      %dma_wait3A_74 = tpu.memref_slice %arg11[%scan3A_58, %dma_wait3A_73] : memref<256x64xf32, #tpu.memory_space<vmem>> -> memref<1x64xf32, #tpu.memory_space<vmem>>
      %dma_wait3A_75 = arith.constant 0 : i32
      %dma_wait3A_76 = arith.constant 0 : i32
      %dma_wait3A_77 = tpu.memref_slice %arg5[%dma_wait3A_75, %dma_wait3A_76] : memref<1000x64xf32, #tpu.memory_space<hbm>> -> memref<1x64xf32, #tpu.memory_space<hbm>>
      tpu.wait_dma2 semaphore(%arg17 : memref<!tpu.dma_semaphore, #tpu.memory_space<semaphore_mem>>) src(%dma_wait3A_77 : memref<1x64xf32, #tpu.memory_space<hbm>>) dst(%dma_wait3A_74 : memref<1x64xf32, #tpu.memory_space<vmem>>)
      %dma_wait3A_78 = arith.constant 0 : i32
      %dma_wait3A_79 = tpu.memref_slice %arg11[%scan3A_58, %dma_wait3A_78] : memref<256x64xf32, #tpu.memory_space<vmem>> -> memref<1x64xf32, #tpu.memory_space<vmem>>
      %dma_wait3A_80 = arith.constant 0 : i32
      %dma_wait3A_81 = arith.constant 0 : i32
      %dma_wait3A_82 = tpu.memref_slice %arg5[%dma_wait3A_80, %dma_wait3A_81] : memref<1000x64xf32, #tpu.memory_space<hbm>> -> memref<1x64xf32, #tpu.memory_space<hbm>>
      %dma_wait3A_83 = arith.constant 0 : i32
      %dma_wait3A_84 = tpu.memref_slice %arg11[%scan3A_58, %dma_wait3A_83] : memref<256x64xf32, #tpu.memory_space<vmem>> -> memref<1x64xf32, #tpu.memory_space<vmem>>
      %dma_wait3A_85 = arith.constant 0 : i32
      %dma_wait3A_86 = arith.constant 0 : i32
      %dma_wait3A_87 = tpu.memref_slice %arg5[%dma_wait3A_85, %dma_wait3A_86] : memref<1000x64xf32, #tpu.memory_space<hbm>> -> memref<1x64xf32, #tpu.memory_space<hbm>>
      tpu.wait_dma2 semaphore(%arg18 : memref<!tpu.dma_semaphore, #tpu.memory_space<semaphore_mem>>) src(%dma_wait3A_87 : memref<1x64xf32, #tpu.memory_space<hbm>>) dst(%dma_wait3A_84 : memref<1x64xf32, #tpu.memory_space<vmem>>)
      %dma_wait3A_88 = arith.constant 0 : i32
      %dma_wait3A_89 = tpu.memref_slice %arg11[%scan3A_58, %dma_wait3A_88] : memref<256x64xf32, #tpu.memory_space<vmem>> -> memref<1x64xf32, #tpu.memory_space<vmem>>
      %dma_wait3A_90 = arith.constant 0 : i32
      %dma_wait3A_91 = arith.constant 0 : i32
      %dma_wait3A_92 = tpu.memref_slice %arg5[%dma_wait3A_90, %dma_wait3A_91] : memref<1000x64xf32, #tpu.memory_space<hbm>> -> memref<1x64xf32, #tpu.memory_space<hbm>>
      %dma_wait3A_93 = arith.constant 0 : i32
      %dma_wait3A_94 = tpu.memref_slice %arg11[%scan3A_58, %dma_wait3A_93] : memref<256x64xf32, #tpu.memory_space<vmem>> -> memref<1x64xf32, #tpu.memory_space<vmem>>
      %dma_wait3A_95 = arith.constant 0 : i32
      %dma_wait3A_96 = arith.constant 0 : i32
      %dma_wait3A_97 = tpu.memref_slice %arg5[%dma_wait3A_95, %dma_wait3A_96] : memref<1000x64xf32, #tpu.memory_space<hbm>> -> memref<1x64xf32, #tpu.memory_space<hbm>>
      tpu.wait_dma2 semaphore(%arg19 : memref<!tpu.dma_semaphore, #tpu.memory_space<semaphore_mem>>) src(%dma_wait3A_97 : memref<1x64xf32, #tpu.memory_space<hbm>>) dst(%dma_wait3A_94 : memref<1x64xf32, #tpu.memory_space<vmem>>)
    }
    %scan3A_27 = arith.constant 64 : i32
    %add3A_28 = arith.constant 0 : i32
    %add3A_29 = arith.addi %mul3A_2, %add3A_28 : i32
    "tpu.region"() ({
      %run_scoped3A = tpu.sem_alloc : memref<!tpu.dma_semaphore, #tpu.memory_space<semaphore_mem>>
      %dma_start3A = arith.constant 0 : i32
      %dma_start3A_58 = tpu.memref_slice %arg7[%add3A_29, %dma_start3A] : memref<16384x64xf32, #tpu.memory_space<hbm>> -> memref<256x64xf32, #tpu.memory_space<hbm>>
      %dma_start3A_59 = arith.constant 0 : i32
      %dma_start3A_60 = tpu.memref_slice %arg7[%add3A_29, %dma_start3A_59] : memref<16384x64xf32, #tpu.memory_space<hbm>> -> memref<256x64xf32, #tpu.memory_space<hbm>>
      tpu.enqueue_dma source(%arg11 : memref<256x64xf32, #tpu.memory_space<vmem>>) target(%dma_start3A_60 : memref<256x64xf32, #tpu.memory_space<hbm>>) target_semaphore(%run_scoped3A : memref<!tpu.dma_semaphore, #tpu.memory_space<semaphore_mem>>)
      %dma_wait3A = arith.constant 0 : i32
      %dma_wait3A_61 = tpu.memref_slice %arg7[%add3A_29, %dma_wait3A] : memref<16384x64xf32, #tpu.memory_space<hbm>> -> memref<256x64xf32, #tpu.memory_space<hbm>>
      %dma_wait3A_62 = arith.constant 0 : i32
      %dma_wait3A_63 = tpu.memref_slice %arg7[%add3A_29, %dma_wait3A_62] : memref<16384x64xf32, #tpu.memory_space<hbm>> -> memref<256x64xf32, #tpu.memory_space<hbm>>
      tpu.wait_dma2 semaphore(%run_scoped3A : memref<!tpu.dma_semaphore, #tpu.memory_space<semaphore_mem>>) src(%arg11 : memref<256x64xf32, #tpu.memory_space<vmem>>) dst(%dma_wait3A_63 : memref<256x64xf32, #tpu.memory_space<hbm>>)
      tpu.yield
    }) : () -> ()
    %scan3A_30 = arith.constant 0 : i32
    %scan3A_31 = arith.constant 0 : i32
    %scan3A_32 = arith.constant 16 : i32
    %scan3A_33 = arith.addi %scan3A_31, %scan3A_32 : i32
    %scan3A_34 = arith.constant 1 : i32
    scf.for %scan3A_58 = %scan3A_31 to %scan3A_33 step %scan3A_34  : i32 {
      %mul3A_59 = arith.constant 16 : i32
      %mul3A_60 = arith.muli %scan3A_58, %mul3A_59 : i32
      %add3A_61 = arith.constant 256 : i32
      %add3A_62 = arith.addi %add3A_61, %mul3A_60 : i32
      %get3A = arith.index_cast %add3A_62 : i32 to index
      %get3A_63 = tpu.vector_load %arg8[%get3A] {strides = array<i32>} : memref<512xi32, #tpu.memory_space<vmem>>, vector<16xi32>,
      %slice3A = vector.extract_strided_slice %get3A_63 {offsets = [0], sizes = [1], strides = [1]} : vector<16xi32> to vector<1xi32>
      %squeeze3A = vector.extract %slice3A[0] : i32 from vector<1xi32>
      %mul3A_64 = arith.constant 16 : i32
      %mul3A_65 = arith.muli %scan3A_58, %mul3A_64 : i32
      %add3A_66 = arith.constant 0 : i32
      %add3A_67 = arith.addi %mul3A_65, %add3A_66 : i32
      %dma_start3A = arith.constant 0 : i32
      %dma_start3A_68 = tpu.memref_slice %arg10[%add3A_67, %dma_start3A] : memref<256x64xf32, #tpu.memory_space<vmem>> -> memref<1x64xf32, #tpu.memory_space<vmem>>
      %dma_start3A_69 = arith.constant 0 : i32
      %dma_start3A_70 = tpu.memref_slice %arg4[%squeeze3A, %dma_start3A_69] : memref<1000000x64xf32, #tpu.memory_space<hbm>> -> memref<1x64xf32, #tpu.memory_space<hbm>>
      %dma_start3A_71 = arith.constant 0 : i32
      %dma_start3A_72 = tpu.memref_slice %arg10[%add3A_67, %dma_start3A_71] : memref<256x64xf32, #tpu.memory_space<vmem>> -> memref<1x64xf32, #tpu.memory_space<vmem>>
      %dma_start3A_73 = arith.constant 0 : i32
      %dma_start3A_74 = tpu.memref_slice %arg4[%squeeze3A, %dma_start3A_73] : memref<1000000x64xf32, #tpu.memory_space<hbm>> -> memref<1x64xf32, #tpu.memory_space<hbm>>
      tpu.enqueue_dma source(%dma_start3A_74 : memref<1x64xf32, #tpu.memory_space<hbm>>) target(%dma_start3A_72 : memref<1x64xf32, #tpu.memory_space<vmem>>) target_semaphore(%arg12 : memref<!tpu.dma_semaphore, #tpu.memory_space<semaphore_mem>>)
      %slice3A_75 = vector.extract_strided_slice %get3A_63 {offsets = [1], sizes = [1], strides = [1]} : vector<16xi32> to vector<1xi32>
      %squeeze3A_76 = vector.extract %slice3A_75[0] : i32 from vector<1xi32>
      %mul3A_77 = arith.constant 16 : i32
      %mul3A_78 = arith.muli %scan3A_58, %mul3A_77 : i32
      %add3A_79 = arith.constant 1 : i32
      %add3A_80 = arith.addi %mul3A_78, %add3A_79 : i32
      %dma_start3A_81 = arith.constant 0 : i32
      %dma_start3A_82 = tpu.memref_slice %arg10[%add3A_80, %dma_start3A_81] : memref<256x64xf32, #tpu.memory_space<vmem>> -> memref<1x64xf32, #tpu.memory_space<vmem>>
      %dma_start3A_83 = arith.constant 0 : i32
      %dma_start3A_84 = tpu.memref_slice %arg4[%squeeze3A_76, %dma_start3A_83] : memref<1000000x64xf32, #tpu.memory_space<hbm>> -> memref<1x64xf32, #tpu.memory_space<hbm>>
      %dma_start3A_85 = arith.constant 0 : i32
      %dma_start3A_86 = tpu.memref_slice %arg10[%add3A_80, %dma_start3A_85] : memref<256x64xf32, #tpu.memory_space<vmem>> -> memref<1x64xf32, #tpu.memory_space<vmem>>
      %dma_start3A_87 = arith.constant 0 : i32
      %dma_start3A_88 = tpu.memref_slice %arg4[%squeeze3A_76, %dma_start3A_87] : memref<1000000x64xf32, #tpu.memory_space<hbm>> -> memref<1x64xf32, #tpu.memory_space<hbm>>
      tpu.enqueue_dma source(%dma_start3A_88 : memref<1x64xf32, #tpu.memory_space<hbm>>) target(%dma_start3A_86 : memref<1x64xf32, #tpu.memory_space<vmem>>) target_semaphore(%arg13 : memref<!tpu.dma_semaphore, #tpu.memory_space<semaphore_mem>>)
      %slice3A_89 = vector.extract_strided_slice %get3A_63 {offsets = [2], sizes = [1], strides = [1]} : vector<16xi32> to vector<1xi32>
      %squeeze3A_90 = vector.extract %slice3A_89[0] : i32 from vector<1xi32>
      %mul3A_91 = arith.constant 16 : i32
      %mul3A_92 = arith.muli %scan3A_58, %mul3A_91 : i32
      %add3A_93 = arith.constant 2 : i32
      %add3A_94 = arith.addi %mul3A_92, %add3A_93 : i32
      %dma_start3A_95 = arith.constant 0 : i32
      %dma_start3A_96 = tpu.memref_slice %arg10[%add3A_94, %dma_start3A_95] : memref<256x64xf32, #tpu.memory_space<vmem>> -> memref<1x64xf32, #tpu.memory_space<vmem>>
      %dma_start3A_97 = arith.constant 0 : i32
      %dma_start3A_98 = tpu.memref_slice %arg4[%squeeze3A_90, %dma_start3A_97] : memref<1000000x64xf32, #tpu.memory_space<hbm>> -> memref<1x64xf32, #tpu.memory_space<hbm>>
      %dma_start3A_99 = arith.constant 0 : i32
      %dma_start3A_100 = tpu.memref_slice %arg10[%add3A_94, %dma_start3A_99] : memref<256x64xf32, #tpu.memory_space<vmem>> -> memref<1x64xf32, #tpu.memory_space<vmem>>
      %dma_start3A_101 = arith.constant 0 : i32
      %dma_start3A_102 = tpu.memref_slice %arg4[%squeeze3A_90, %dma_start3A_101] : memref<1000000x64xf32, #tpu.memory_space<hbm>> -> memref<1x64xf32, #tpu.memory_space<hbm>>
      tpu.enqueue_dma source(%dma_start3A_102 : memref<1x64xf32, #tpu.memory_space<hbm>>) target(%dma_start3A_100 : memref<1x64xf32, #tpu.memory_space<vmem>>) target_semaphore(%arg14 : memref<!tpu.dma_semaphore, #tpu.memory_space<semaphore_mem>>)
      %slice3A_103 = vector.extract_strided_slice %get3A_63 {offsets = [3], sizes = [1], strides = [1]} : vector<16xi32> to vector<1xi32>
      %squeeze3A_104 = vector.extract %slice3A_103[0] : i32 from vector<1xi32>
      %mul3A_105 = arith.constant 16 : i32
      %mul3A_106 = arith.muli %scan3A_58, %mul3A_105 : i32
      %add3A_107 = arith.constant 3 : i32
      %add3A_108 = arith.addi %mul3A_106, %add3A_107 : i32
      %dma_start3A_109 = arith.constant 0 : i32
      %dma_start3A_110 = tpu.memref_slice %arg10[%add3A_108, %dma_start3A_109] : memref<256x64xf32, #tpu.memory_space<vmem>> -> memref<1x64xf32, #tpu.memory_space<vmem>>
      %dma_start3A_111 = arith.constant 0 : i32
      %dma_start3A_112 = tpu.memref_slice %arg4[%squeeze3A_104, %dma_start3A_111] : memref<1000000x64xf32, #tpu.memory_space<hbm>> -> memref<1x64xf32, #tpu.memory_space<hbm>>
      %dma_start3A_113 = arith.constant 0 : i32
      %dma_start3A_114 = tpu.memref_slice %arg10[%add3A_108, %dma_start3A_113] : memref<256x64xf32, #tpu.memory_space<vmem>> -> memref<1x64xf32, #tpu.memory_space<vmem>>
      %dma_start3A_115 = arith.constant 0 : i32
      %dma_start3A_116 = tpu.memref_slice %arg4[%squeeze3A_104, %dma_start3A_115] : memref<1000000x64xf32, #tpu.memory_space<hbm>> -> memref<1x64xf32, #tpu.memory_space<hbm>>
      tpu.enqueue_dma source(%dma_start3A_116 : memref<1x64xf32, #tpu.memory_space<hbm>>) target(%dma_start3A_114 : memref<1x64xf32, #tpu.memory_space<vmem>>) target_semaphore(%arg15 : memref<!tpu.dma_semaphore, #tpu.memory_space<semaphore_mem>>)
      %slice3A_117 = vector.extract_strided_slice %get3A_63 {offsets = [4], sizes = [1], strides = [1]} : vector<16xi32> to vector<1xi32>
      %squeeze3A_118 = vector.extract %slice3A_117[0] : i32 from vector<1xi32>
      %mul3A_119 = arith.constant 16 : i32
      %mul3A_120 = arith.muli %scan3A_58, %mul3A_119 : i32
      %add3A_121 = arith.constant 4 : i32
      %add3A_122 = arith.addi %mul3A_120, %add3A_121 : i32
      %dma_start3A_123 = arith.constant 0 : i32
      %dma_start3A_124 = tpu.memref_slice %arg10[%add3A_122, %dma_start3A_123] : memref<256x64xf32, #tpu.memory_space<vmem>> -> memref<1x64xf32, #tpu.memory_space<vmem>>
      %dma_start3A_125 = arith.constant 0 : i32
      %dma_start3A_126 = tpu.memref_slice %arg4[%squeeze3A_118, %dma_start3A_125] : memref<1000000x64xf32, #tpu.memory_space<hbm>> -> memref<1x64xf32, #tpu.memory_space<hbm>>
      %dma_start3A_127 = arith.constant 0 : i32
      %dma_start3A_128 = tpu.memref_slice %arg10[%add3A_122, %dma_start3A_127] : memref<256x64xf32, #tpu.memory_space<vmem>> -> memref<1x64xf32, #tpu.memory_space<vmem>>
      %dma_start3A_129 = arith.constant 0 : i32
      %dma_start3A_130 = tpu.memref_slice %arg4[%squeeze3A_118, %dma_start3A_129] : memref<1000000x64xf32, #tpu.memory_space<hbm>> -> memref<1x64xf32, #tpu.memory_space<hbm>>
      tpu.enqueue_dma source(%dma_start3A_130 : memref<1x64xf32, #tpu.memory_space<hbm>>) target(%dma_start3A_128 : memref<1x64xf32, #tpu.memory_space<vmem>>) target_semaphore(%arg12 : memref<!tpu.dma_semaphore, #tpu.memory_space<semaphore_mem>>)
      %slice3A_131 = vector.extract_strided_slice %get3A_63 {offsets = [5], sizes = [1], strides = [1]} : vector<16xi32> to vector<1xi32>
      %squeeze3A_132 = vector.extract %slice3A_131[0] : i32 from vector<1xi32>
      %mul3A_133 = arith.constant 16 : i32
      %mul3A_134 = arith.muli %scan3A_58, %mul3A_133 : i32
      %add3A_135 = arith.constant 5 : i32
      %add3A_136 = arith.addi %mul3A_134, %add3A_135 : i32
      %dma_start3A_137 = arith.constant 0 : i32
      %dma_start3A_138 = tpu.memref_slice %arg10[%add3A_136, %dma_start3A_137] : memref<256x64xf32, #tpu.memory_space<vmem>> -> memref<1x64xf32, #tpu.memory_space<vmem>>
      %dma_start3A_139 = arith.constant 0 : i32
      %dma_start3A_140 = tpu.memref_slice %arg4[%squeeze3A_132, %dma_start3A_139] : memref<1000000x64xf32, #tpu.memory_space<hbm>> -> memref<1x64xf32, #tpu.memory_space<hbm>>
      %dma_start3A_141 = arith.constant 0 : i32
      %dma_start3A_142 = tpu.memref_slice %arg10[%add3A_136, %dma_start3A_141] : memref<256x64xf32, #tpu.memory_space<vmem>> -> memref<1x64xf32, #tpu.memory_space<vmem>>
      %dma_start3A_143 = arith.constant 0 : i32
      %dma_start3A_144 = tpu.memref_slice %arg4[%squeeze3A_132, %dma_start3A_143] : memref<1000000x64xf32, #tpu.memory_space<hbm>> -> memref<1x64xf32, #tpu.memory_space<hbm>>
      tpu.enqueue_dma source(%dma_start3A_144 : memref<1x64xf32, #tpu.memory_space<hbm>>) target(%dma_start3A_142 : memref<1x64xf32, #tpu.memory_space<vmem>>) target_semaphore(%arg13 : memref<!tpu.dma_semaphore, #tpu.memory_space<semaphore_mem>>)
      %slice3A_145 = vector.extract_strided_slice %get3A_63 {offsets = [6], sizes = [1], strides = [1]} : vector<16xi32> to vector<1xi32>
      %squeeze3A_146 = vector.extract %slice3A_145[0] : i32 from vector<1xi32>
      %mul3A_147 = arith.constant 16 : i32
      %mul3A_148 = arith.muli %scan3A_58, %mul3A_147 : i32
      %add3A_149 = arith.constant 6 : i32
      %add3A_150 = arith.addi %mul3A_148, %add3A_149 : i32
      %dma_start3A_151 = arith.constant 0 : i32
      %dma_start3A_152 = tpu.memref_slice %arg10[%add3A_150, %dma_start3A_151] : memref<256x64xf32, #tpu.memory_space<vmem>> -> memref<1x64xf32, #tpu.memory_space<vmem>>
      %dma_start3A_153 = arith.constant 0 : i32
      %dma_start3A_154 = tpu.memref_slice %arg4[%squeeze3A_146, %dma_start3A_153] : memref<1000000x64xf32, #tpu.memory_space<hbm>> -> memref<1x64xf32, #tpu.memory_space<hbm>>
      %dma_start3A_155 = arith.constant 0 : i32
      %dma_start3A_156 = tpu.memref_slice %arg10[%add3A_150, %dma_start3A_155] : memref<256x64xf32, #tpu.memory_space<vmem>> -> memref<1x64xf32, #tpu.memory_space<vmem>>
      %dma_start3A_157 = arith.constant 0 : i32
      %dma_start3A_158 = tpu.memref_slice %arg4[%squeeze3A_146, %dma_start3A_157] : memref<1000000x64xf32, #tpu.memory_space<hbm>> -> memref<1x64xf32, #tpu.memory_space<hbm>>
      tpu.enqueue_dma source(%dma_start3A_158 : memref<1x64xf32, #tpu.memory_space<hbm>>) target(%dma_start3A_156 : memref<1x64xf32, #tpu.memory_space<vmem>>) target_semaphore(%arg14 : memref<!tpu.dma_semaphore, #tpu.memory_space<semaphore_mem>>)
      %slice3A_159 = vector.extract_strided_slice %get3A_63 {offsets = [7], sizes = [1], strides = [1]} : vector<16xi32> to vector<1xi32>
      %squeeze3A_160 = vector.extract %slice3A_159[0] : i32 from vector<1xi32>
      %mul3A_161 = arith.constant 16 : i32
      %mul3A_162 = arith.muli %scan3A_58, %mul3A_161 : i32
      %add3A_163 = arith.constant 7 : i32
      %add3A_164 = arith.addi %mul3A_162, %add3A_163 : i32
      %dma_start3A_165 = arith.constant 0 : i32
      %dma_start3A_166 = tpu.memref_slice %arg10[%add3A_164, %dma_start3A_165] : memref<256x64xf32, #tpu.memory_space<vmem>> -> memref<1x64xf32, #tpu.memory_space<vmem>>
      %dma_start3A_167 = arith.constant 0 : i32
      %dma_start3A_168 = tpu.memref_slice %arg4[%squeeze3A_160, %dma_start3A_167] : memref<1000000x64xf32, #tpu.memory_space<hbm>> -> memref<1x64xf32, #tpu.memory_space<hbm>>
      %dma_start3A_169 = arith.constant 0 : i32
      %dma_start3A_170 = tpu.memref_slice %arg10[%add3A_164, %dma_start3A_169] : memref<256x64xf32, #tpu.memory_space<vmem>> -> memref<1x64xf32, #tpu.memory_space<vmem>>
      %dma_start3A_171 = arith.constant 0 : i32
      %dma_start3A_172 = tpu.memref_slice %arg4[%squeeze3A_160, %dma_start3A_171] : memref<1000000x64xf32, #tpu.memory_space<hbm>> -> memref<1x64xf32, #tpu.memory_space<hbm>>
      tpu.enqueue_dma source(%dma_start3A_172 : memref<1x64xf32, #tpu.memory_space<hbm>>) target(%dma_start3A_170 : memref<1x64xf32, #tpu.memory_space<vmem>>) target_semaphore(%arg15 : memref<!tpu.dma_semaphore, #tpu.memory_space<semaphore_mem>>)
      %slice3A_173 = vector.extract_strided_slice %get3A_63 {offsets = [8], sizes = [1], strides = [1]} : vector<16xi32> to vector<1xi32>
      %squeeze3A_174 = vector.extract %slice3A_173[0] : i32 from vector<1xi32>
      %mul3A_175 = arith.constant 16 : i32
      %mul3A_176 = arith.muli %scan3A_58, %mul3A_175 : i32
      %add3A_177 = arith.constant 8 : i32
      %add3A_178 = arith.addi %mul3A_176, %add3A_177 : i32
      %dma_start3A_179 = arith.constant 0 : i32
      %dma_start3A_180 = tpu.memref_slice %arg10[%add3A_178, %dma_start3A_179] : memref<256x64xf32, #tpu.memory_space<vmem>> -> memref<1x64xf32, #tpu.memory_space<vmem>>
      %dma_start3A_181 = arith.constant 0 : i32
      %dma_start3A_182 = tpu.memref_slice %arg4[%squeeze3A_174, %dma_start3A_181] : memref<1000000x64xf32, #tpu.memory_space<hbm>> -> memref<1x64xf32, #tpu.memory_space<hbm>>
      %dma_start3A_183 = arith.constant 0 : i32
      %dma_start3A_184 = tpu.memref_slice %arg10[%add3A_178, %dma_start3A_183] : memref<256x64xf32, #tpu.memory_space<vmem>> -> memref<1x64xf32, #tpu.memory_space<vmem>>
      %dma_start3A_185 = arith.constant 0 : i32
      %dma_start3A_186 = tpu.memref_slice %arg4[%squeeze3A_174, %dma_start3A_185] : memref<1000000x64xf32, #tpu.memory_space<hbm>> -> memref<1x64xf32, #tpu.memory_space<hbm>>
      tpu.enqueue_dma source(%dma_start3A_186 : memref<1x64xf32, #tpu.memory_space<hbm>>) target(%dma_start3A_184 : memref<1x64xf32, #tpu.memory_space<vmem>>) target_semaphore(%arg12 : memref<!tpu.dma_semaphore, #tpu.memory_space<semaphore_mem>>)
      %slice3A_187 = vector.extract_strided_slice %get3A_63 {offsets = [9], sizes = [1], strides = [1]} : vector<16xi32> to vector<1xi32>
      %squeeze3A_188 = vector.extract %slice3A_187[0] : i32 from vector<1xi32>
      %mul3A_189 = arith.constant 16 : i32
      %mul3A_190 = arith.muli %scan3A_58, %mul3A_189 : i32
      %add3A_191 = arith.constant 9 : i32
      %add3A_192 = arith.addi %mul3A_190, %add3A_191 : i32
      %dma_start3A_193 = arith.constant 0 : i32
      %dma_start3A_194 = tpu.memref_slice %arg10[%add3A_192, %dma_start3A_193] : memref<256x64xf32, #tpu.memory_space<vmem>> -> memref<1x64xf32, #tpu.memory_space<vmem>>
      %dma_start3A_195 = arith.constant 0 : i32
      %dma_start3A_196 = tpu.memref_slice %arg4[%squeeze3A_188, %dma_start3A_195] : memref<1000000x64xf32, #tpu.memory_space<hbm>> -> memref<1x64xf32, #tpu.memory_space<hbm>>
      %dma_start3A_197 = arith.constant 0 : i32
      %dma_start3A_198 = tpu.memref_slice %arg10[%add3A_192, %dma_start3A_197] : memref<256x64xf32, #tpu.memory_space<vmem>> -> memref<1x64xf32, #tpu.memory_space<vmem>>
      %dma_start3A_199 = arith.constant 0 : i32
      %dma_start3A_200 = tpu.memref_slice %arg4[%squeeze3A_188, %dma_start3A_199] : memref<1000000x64xf32, #tpu.memory_space<hbm>> -> memref<1x64xf32, #tpu.memory_space<hbm>>
      tpu.enqueue_dma source(%dma_start3A_200 : memref<1x64xf32, #tpu.memory_space<hbm>>) target(%dma_start3A_198 : memref<1x64xf32, #tpu.memory_space<vmem>>) target_semaphore(%arg13 : memref<!tpu.dma_semaphore, #tpu.memory_space<semaphore_mem>>)
      %slice3A_201 = vector.extract_strided_slice %get3A_63 {offsets = [10], sizes = [1], strides = [1]} : vector<16xi32> to vector<1xi32>
      %squeeze3A_202 = vector.extract %slice3A_201[0] : i32 from vector<1xi32>
      %mul3A_203 = arith.constant 16 : i32
      %mul3A_204 = arith.muli %scan3A_58, %mul3A_203 : i32
      %add3A_205 = arith.constant 10 : i32
      %add3A_206 = arith.addi %mul3A_204, %add3A_205 : i32
      %dma_start3A_207 = arith.constant 0 : i32
      %dma_start3A_208 = tpu.memref_slice %arg10[%add3A_206, %dma_start3A_207] : memref<256x64xf32, #tpu.memory_space<vmem>> -> memref<1x64xf32, #tpu.memory_space<vmem>>
      %dma_start3A_209 = arith.constant 0 : i32
      %dma_start3A_210 = tpu.memref_slice %arg4[%squeeze3A_202, %dma_start3A_209] : memref<1000000x64xf32, #tpu.memory_space<hbm>> -> memref<1x64xf32, #tpu.memory_space<hbm>>
      %dma_start3A_211 = arith.constant 0 : i32
      %dma_start3A_212 = tpu.memref_slice %arg10[%add3A_206, %dma_start3A_211] : memref<256x64xf32, #tpu.memory_space<vmem>> -> memref<1x64xf32, #tpu.memory_space<vmem>>
      %dma_start3A_213 = arith.constant 0 : i32
      %dma_start3A_214 = tpu.memref_slice %arg4[%squeeze3A_202, %dma_start3A_213] : memref<1000000x64xf32, #tpu.memory_space<hbm>> -> memref<1x64xf32, #tpu.memory_space<hbm>>
      tpu.enqueue_dma source(%dma_start3A_214 : memref<1x64xf32, #tpu.memory_space<hbm>>) target(%dma_start3A_212 : memref<1x64xf32, #tpu.memory_space<vmem>>) target_semaphore(%arg14 : memref<!tpu.dma_semaphore, #tpu.memory_space<semaphore_mem>>)
      %slice3A_215 = vector.extract_strided_slice %get3A_63 {offsets = [11], sizes = [1], strides = [1]} : vector<16xi32> to vector<1xi32>
      %squeeze3A_216 = vector.extract %slice3A_215[0] : i32 from vector<1xi32>
      %mul3A_217 = arith.constant 16 : i32
      %mul3A_218 = arith.muli %scan3A_58, %mul3A_217 : i32
      %add3A_219 = arith.constant 11 : i32
      %add3A_220 = arith.addi %mul3A_218, %add3A_219 : i32
      %dma_start3A_221 = arith.constant 0 : i32
      %dma_start3A_222 = tpu.memref_slice %arg10[%add3A_220, %dma_start3A_221] : memref<256x64xf32, #tpu.memory_space<vmem>> -> memref<1x64xf32, #tpu.memory_space<vmem>>
      %dma_start3A_223 = arith.constant 0 : i32
      %dma_start3A_224 = tpu.memref_slice %arg4[%squeeze3A_216, %dma_start3A_223] : memref<1000000x64xf32, #tpu.memory_space<hbm>> -> memref<1x64xf32, #tpu.memory_space<hbm>>
      %dma_start3A_225 = arith.constant 0 : i32
      %dma_start3A_226 = tpu.memref_slice %arg10[%add3A_220, %dma_start3A_225] : memref<256x64xf32, #tpu.memory_space<vmem>> -> memref<1x64xf32, #tpu.memory_space<vmem>>
      %dma_start3A_227 = arith.constant 0 : i32
      %dma_start3A_228 = tpu.memref_slice %arg4[%squeeze3A_216, %dma_start3A_227] : memref<1000000x64xf32, #tpu.memory_space<hbm>> -> memref<1x64xf32, #tpu.memory_space<hbm>>
      tpu.enqueue_dma source(%dma_start3A_228 : memref<1x64xf32, #tpu.memory_space<hbm>>) target(%dma_start3A_226 : memref<1x64xf32, #tpu.memory_space<vmem>>) target_semaphore(%arg15 : memref<!tpu.dma_semaphore, #tpu.memory_space<semaphore_mem>>)
      %slice3A_229 = vector.extract_strided_slice %get3A_63 {offsets = [12], sizes = [1], strides = [1]} : vector<16xi32> to vector<1xi32>
      %squeeze3A_230 = vector.extract %slice3A_229[0] : i32 from vector<1xi32>
      %mul3A_231 = arith.constant 16 : i32
      %mul3A_232 = arith.muli %scan3A_58, %mul3A_231 : i32
      %add3A_233 = arith.constant 12 : i32
      %add3A_234 = arith.addi %mul3A_232, %add3A_233 : i32
      %dma_start3A_235 = arith.constant 0 : i32
      %dma_start3A_236 = tpu.memref_slice %arg10[%add3A_234, %dma_start3A_235] : memref<256x64xf32, #tpu.memory_space<vmem>> -> memref<1x64xf32, #tpu.memory_space<vmem>>
      %dma_start3A_237 = arith.constant 0 : i32
      %dma_start3A_238 = tpu.memref_slice %arg4[%squeeze3A_230, %dma_start3A_237] : memref<1000000x64xf32, #tpu.memory_space<hbm>> -> memref<1x64xf32, #tpu.memory_space<hbm>>
      %dma_start3A_239 = arith.constant 0 : i32
      %dma_start3A_240 = tpu.memref_slice %arg10[%add3A_234, %dma_start3A_239] : memref<256x64xf32, #tpu.memory_space<vmem>> -> memref<1x64xf32, #tpu.memory_space<vmem>>
      %dma_start3A_241 = arith.constant 0 : i32
      %dma_start3A_242 = tpu.memref_slice %arg4[%squeeze3A_230, %dma_start3A_241] : memref<1000000x64xf32, #tpu.memory_space<hbm>> -> memref<1x64xf32, #tpu.memory_space<hbm>>
      tpu.enqueue_dma source(%dma_start3A_242 : memref<1x64xf32, #tpu.memory_space<hbm>>) target(%dma_start3A_240 : memref<1x64xf32, #tpu.memory_space<vmem>>) target_semaphore(%arg12 : memref<!tpu.dma_semaphore, #tpu.memory_space<semaphore_mem>>)
      %slice3A_243 = vector.extract_strided_slice %get3A_63 {offsets = [13], sizes = [1], strides = [1]} : vector<16xi32> to vector<1xi32>
      %squeeze3A_244 = vector.extract %slice3A_243[0] : i32 from vector<1xi32>
      %mul3A_245 = arith.constant 16 : i32
      %mul3A_246 = arith.muli %scan3A_58, %mul3A_245 : i32
      %add3A_247 = arith.constant 13 : i32
      %add3A_248 = arith.addi %mul3A_246, %add3A_247 : i32
      %dma_start3A_249 = arith.constant 0 : i32
      %dma_start3A_250 = tpu.memref_slice %arg10[%add3A_248, %dma_start3A_249] : memref<256x64xf32, #tpu.memory_space<vmem>> -> memref<1x64xf32, #tpu.memory_space<vmem>>
      %dma_start3A_251 = arith.constant 0 : i32
      %dma_start3A_252 = tpu.memref_slice %arg4[%squeeze3A_244, %dma_start3A_251] : memref<1000000x64xf32, #tpu.memory_space<hbm>> -> memref<1x64xf32, #tpu.memory_space<hbm>>
      %dma_start3A_253 = arith.constant 0 : i32
      %dma_start3A_254 = tpu.memref_slice %arg10[%add3A_248, %dma_start3A_253] : memref<256x64xf32, #tpu.memory_space<vmem>> -> memref<1x64xf32, #tpu.memory_space<vmem>>
      %dma_start3A_255 = arith.constant 0 : i32
      %dma_start3A_256 = tpu.memref_slice %arg4[%squeeze3A_244, %dma_start3A_255] : memref<1000000x64xf32, #tpu.memory_space<hbm>> -> memref<1x64xf32, #tpu.memory_space<hbm>>
      tpu.enqueue_dma source(%dma_start3A_256 : memref<1x64xf32, #tpu.memory_space<hbm>>) target(%dma_start3A_254 : memref<1x64xf32, #tpu.memory_space<vmem>>) target_semaphore(%arg13 : memref<!tpu.dma_semaphore, #tpu.memory_space<semaphore_mem>>)
      %slice3A_257 = vector.extract_strided_slice %get3A_63 {offsets = [14], sizes = [1], strides = [1]} : vector<16xi32> to vector<1xi32>
      %squeeze3A_258 = vector.extract %slice3A_257[0] : i32 from vector<1xi32>
      %mul3A_259 = arith.constant 16 : i32
      %mul3A_260 = arith.muli %scan3A_58, %mul3A_259 : i32
      %add3A_261 = arith.constant 14 : i32
      %add3A_262 = arith.addi %mul3A_260, %add3A_261 : i32
      %dma_start3A_263 = arith.constant 0 : i32
      %dma_start3A_264 = tpu.memref_slice %arg10[%add3A_262, %dma_start3A_263] : memref<256x64xf32, #tpu.memory_space<vmem>> -> memref<1x64xf32, #tpu.memory_space<vmem>>
      %dma_start3A_265 = arith.constant 0 : i32
      %dma_start3A_266 = tpu.memref_slice %arg4[%squeeze3A_258, %dma_start3A_265] : memref<1000000x64xf32, #tpu.memory_space<hbm>> -> memref<1x64xf32, #tpu.memory_space<hbm>>
      %dma_start3A_267 = arith.constant 0 : i32
      %dma_start3A_268 = tpu.memref_slice %arg10[%add3A_262, %dma_start3A_267] : memref<256x64xf32, #tpu.memory_space<vmem>> -> memref<1x64xf32, #tpu.memory_space<vmem>>
      %dma_start3A_269 = arith.constant 0 : i32
      %dma_start3A_270 = tpu.memref_slice %arg4[%squeeze3A_258, %dma_start3A_269] : memref<1000000x64xf32, #tpu.memory_space<hbm>> -> memref<1x64xf32, #tpu.memory_space<hbm>>
      tpu.enqueue_dma source(%dma_start3A_270 : memref<1x64xf32, #tpu.memory_space<hbm>>) target(%dma_start3A_268 : memref<1x64xf32, #tpu.memory_space<vmem>>) target_semaphore(%arg14 : memref<!tpu.dma_semaphore, #tpu.memory_space<semaphore_mem>>)
      %slice3A_271 = vector.extract_strided_slice %get3A_63 {offsets = [15], sizes = [1], strides = [1]} : vector<16xi32> to vector<1xi32>
      %squeeze3A_272 = vector.extract %slice3A_271[0] : i32 from vector<1xi32>
      %mul3A_273 = arith.constant 16 : i32
      %mul3A_274 = arith.muli %scan3A_58, %mul3A_273 : i32
      %add3A_275 = arith.constant 15 : i32
      %add3A_276 = arith.addi %mul3A_274, %add3A_275 : i32
      %dma_start3A_277 = arith.constant 0 : i32
      %dma_start3A_278 = tpu.memref_slice %arg10[%add3A_276, %dma_start3A_277] : memref<256x64xf32, #tpu.memory_space<vmem>> -> memref<1x64xf32, #tpu.memory_space<vmem>>
      %dma_start3A_279 = arith.constant 0 : i32
      %dma_start3A_280 = tpu.memref_slice %arg4[%squeeze3A_272, %dma_start3A_279] : memref<1000000x64xf32, #tpu.memory_space<hbm>> -> memref<1x64xf32, #tpu.memory_space<hbm>>
      %dma_start3A_281 = arith.constant 0 : i32
      %dma_start3A_282 = tpu.memref_slice %arg10[%add3A_276, %dma_start3A_281] : memref<256x64xf32, #tpu.memory_space<vmem>> -> memref<1x64xf32, #tpu.memory_space<vmem>>
      %dma_start3A_283 = arith.constant 0 : i32
      %dma_start3A_284 = tpu.memref_slice %arg4[%squeeze3A_272, %dma_start3A_283] : memref<1000000x64xf32, #tpu.memory_space<hbm>> -> memref<1x64xf32, #tpu.memory_space<hbm>>
      tpu.enqueue_dma source(%dma_start3A_284 : memref<1x64xf32, #tpu.memory_space<hbm>>) target(%dma_start3A_282 : memref<1x64xf32, #tpu.memory_space<vmem>>) target_semaphore(%arg15 : memref<!tpu.dma_semaphore, #tpu.memory_space<semaphore_mem>>)
    }
    %scan3A_35 = arith.constant 16 : i32
    %scan3A_36 = arith.constant 0 : i32
    %scan3A_37 = arith.constant 0 : i32
    %scan3A_38 = arith.constant 16 : i32
    %scan3A_39 = arith.addi %scan3A_37, %scan3A_38 : i32
    %scan3A_40 = arith.constant 1 : i32
    scf.for %scan3A_58 = %scan3A_37 to %scan3A_39 step %scan3A_40  : i32 {
      %mul3A_59 = arith.constant 16 : i32
      %mul3A_60 = arith.muli %scan3A_58, %mul3A_59 : i32
      %add3A_61 = arith.constant 256 : i32
      %add3A_62 = arith.addi %add3A_61, %mul3A_60 : i32
      %get3A = arith.index_cast %add3A_62 : i32 to index
      %get3A_63 = tpu.vector_load %arg9[%get3A] {strides = array<i32>} : memref<512xi32, #tpu.memory_space<vmem>>, vector<16xi32>,
      %slice3A = vector.extract_strided_slice %get3A_63 {offsets = [0], sizes = [1], strides = [1]} : vector<16xi32> to vector<1xi32>
      %squeeze3A = vector.extract %slice3A[0] : i32 from vector<1xi32>
      %mul3A_64 = arith.constant 16 : i32
      %mul3A_65 = arith.muli %scan3A_58, %mul3A_64 : i32
      %add3A_66 = arith.constant 0 : i32
      %add3A_67 = arith.addi %mul3A_65, %add3A_66 : i32
      %dma_start3A = arith.constant 0 : i32
      %dma_start3A_68 = tpu.memref_slice %arg11[%add3A_67, %dma_start3A] : memref<256x64xf32, #tpu.memory_space<vmem>> -> memref<1x64xf32, #tpu.memory_space<vmem>>
      %dma_start3A_69 = arith.constant 0 : i32
      %dma_start3A_70 = tpu.memref_slice %arg5[%squeeze3A, %dma_start3A_69] : memref<1000x64xf32, #tpu.memory_space<hbm>> -> memref<1x64xf32, #tpu.memory_space<hbm>>
      %dma_start3A_71 = arith.constant 0 : i32
      %dma_start3A_72 = tpu.memref_slice %arg11[%add3A_67, %dma_start3A_71] : memref<256x64xf32, #tpu.memory_space<vmem>> -> memref<1x64xf32, #tpu.memory_space<vmem>>
      %dma_start3A_73 = arith.constant 0 : i32
      %dma_start3A_74 = tpu.memref_slice %arg5[%squeeze3A, %dma_start3A_73] : memref<1000x64xf32, #tpu.memory_space<hbm>> -> memref<1x64xf32, #tpu.memory_space<hbm>>
      tpu.enqueue_dma source(%dma_start3A_74 : memref<1x64xf32, #tpu.memory_space<hbm>>) target(%dma_start3A_72 : memref<1x64xf32, #tpu.memory_space<vmem>>) target_semaphore(%arg16 : memref<!tpu.dma_semaphore, #tpu.memory_space<semaphore_mem>>)
      %slice3A_75 = vector.extract_strided_slice %get3A_63 {offsets = [1], sizes = [1], strides = [1]} : vector<16xi32> to vector<1xi32>
      %squeeze3A_76 = vector.extract %slice3A_75[0] : i32 from vector<1xi32>
      %mul3A_77 = arith.constant 16 : i32
      %mul3A_78 = arith.muli %scan3A_58, %mul3A_77 : i32
      %add3A_79 = arith.constant 1 : i32
      %add3A_80 = arith.addi %mul3A_78, %add3A_79 : i32
      %dma_start3A_81 = arith.constant 0 : i32
      %dma_start3A_82 = tpu.memref_slice %arg11[%add3A_80, %dma_start3A_81] : memref<256x64xf32, #tpu.memory_space<vmem>> -> memref<1x64xf32, #tpu.memory_space<vmem>>
      %dma_start3A_83 = arith.constant 0 : i32
      %dma_start3A_84 = tpu.memref_slice %arg5[%squeeze3A_76, %dma_start3A_83] : memref<1000x64xf32, #tpu.memory_space<hbm>> -> memref<1x64xf32, #tpu.memory_space<hbm>>
      %dma_start3A_85 = arith.constant 0 : i32
      %dma_start3A_86 = tpu.memref_slice %arg11[%add3A_80, %dma_start3A_85] : memref<256x64xf32, #tpu.memory_space<vmem>> -> memref<1x64xf32, #tpu.memory_space<vmem>>
      %dma_start3A_87 = arith.constant 0 : i32
      %dma_start3A_88 = tpu.memref_slice %arg5[%squeeze3A_76, %dma_start3A_87] : memref<1000x64xf32, #tpu.memory_space<hbm>> -> memref<1x64xf32, #tpu.memory_space<hbm>>
      tpu.enqueue_dma source(%dma_start3A_88 : memref<1x64xf32, #tpu.memory_space<hbm>>) target(%dma_start3A_86 : memref<1x64xf32, #tpu.memory_space<vmem>>) target_semaphore(%arg17 : memref<!tpu.dma_semaphore, #tpu.memory_space<semaphore_mem>>)
      %slice3A_89 = vector.extract_strided_slice %get3A_63 {offsets = [2], sizes = [1], strides = [1]} : vector<16xi32> to vector<1xi32>
      %squeeze3A_90 = vector.extract %slice3A_89[0] : i32 from vector<1xi32>
      %mul3A_91 = arith.constant 16 : i32
      %mul3A_92 = arith.muli %scan3A_58, %mul3A_91 : i32
      %add3A_93 = arith.constant 2 : i32
      %add3A_94 = arith.addi %mul3A_92, %add3A_93 : i32
      %dma_start3A_95 = arith.constant 0 : i32
      %dma_start3A_96 = tpu.memref_slice %arg11[%add3A_94, %dma_start3A_95] : memref<256x64xf32, #tpu.memory_space<vmem>> -> memref<1x64xf32, #tpu.memory_space<vmem>>
      %dma_start3A_97 = arith.constant 0 : i32
      %dma_start3A_98 = tpu.memref_slice %arg5[%squeeze3A_90, %dma_start3A_97] : memref<1000x64xf32, #tpu.memory_space<hbm>> -> memref<1x64xf32, #tpu.memory_space<hbm>>
      %dma_start3A_99 = arith.constant 0 : i32
      %dma_start3A_100 = tpu.memref_slice %arg11[%add3A_94, %dma_start3A_99] : memref<256x64xf32, #tpu.memory_space<vmem>> -> memref<1x64xf32, #tpu.memory_space<vmem>>
      %dma_start3A_101 = arith.constant 0 : i32
      %dma_start3A_102 = tpu.memref_slice %arg5[%squeeze3A_90, %dma_start3A_101] : memref<1000x64xf32, #tpu.memory_space<hbm>> -> memref<1x64xf32, #tpu.memory_space<hbm>>
      tpu.enqueue_dma source(%dma_start3A_102 : memref<1x64xf32, #tpu.memory_space<hbm>>) target(%dma_start3A_100 : memref<1x64xf32, #tpu.memory_space<vmem>>) target_semaphore(%arg18 : memref<!tpu.dma_semaphore, #tpu.memory_space<semaphore_mem>>)
      %slice3A_103 = vector.extract_strided_slice %get3A_63 {offsets = [3], sizes = [1], strides = [1]} : vector<16xi32> to vector<1xi32>
      %squeeze3A_104 = vector.extract %slice3A_103[0] : i32 from vector<1xi32>
      %mul3A_105 = arith.constant 16 : i32
      %mul3A_106 = arith.muli %scan3A_58, %mul3A_105 : i32
      %add3A_107 = arith.constant 3 : i32
      %add3A_108 = arith.addi %mul3A_106, %add3A_107 : i32
      %dma_start3A_109 = arith.constant 0 : i32
      %dma_start3A_110 = tpu.memref_slice %arg11[%add3A_108, %dma_start3A_109] : memref<256x64xf32, #tpu.memory_space<vmem>> -> memref<1x64xf32, #tpu.memory_space<vmem>>
      %dma_start3A_111 = arith.constant 0 : i32
      %dma_start3A_112 = tpu.memref_slice %arg5[%squeeze3A_104, %dma_start3A_111] : memref<1000x64xf32, #tpu.memory_space<hbm>> -> memref<1x64xf32, #tpu.memory_space<hbm>>
      %dma_start3A_113 = arith.constant 0 : i32
      %dma_start3A_114 = tpu.memref_slice %arg11[%add3A_108, %dma_start3A_113] : memref<256x64xf32, #tpu.memory_space<vmem>> -> memref<1x64xf32, #tpu.memory_space<vmem>>
      %dma_start3A_115 = arith.constant 0 : i32
      %dma_start3A_116 = tpu.memref_slice %arg5[%squeeze3A_104, %dma_start3A_115] : memref<1000x64xf32, #tpu.memory_space<hbm>> -> memref<1x64xf32, #tpu.memory_space<hbm>>
      tpu.enqueue_dma source(%dma_start3A_116 : memref<1x64xf32, #tpu.memory_space<hbm>>) target(%dma_start3A_114 : memref<1x64xf32, #tpu.memory_space<vmem>>) target_semaphore(%arg19 : memref<!tpu.dma_semaphore, #tpu.memory_space<semaphore_mem>>)
      %slice3A_117 = vector.extract_strided_slice %get3A_63 {offsets = [4], sizes = [1], strides = [1]} : vector<16xi32> to vector<1xi32>
      %squeeze3A_118 = vector.extract %slice3A_117[0] : i32 from vector<1xi32>
      %mul3A_119 = arith.constant 16 : i32
      %mul3A_120 = arith.muli %scan3A_58, %mul3A_119 : i32
      %add3A_121 = arith.constant 4 : i32
      %add3A_122 = arith.addi %mul3A_120, %add3A_121 : i32
      %dma_start3A_123 = arith.constant 0 : i32
      %dma_start3A_124 = tpu.memref_slice %arg11[%add3A_122, %dma_start3A_123] : memref<256x64xf32, #tpu.memory_space<vmem>> -> memref<1x64xf32, #tpu.memory_space<vmem>>
      %dma_start3A_125 = arith.constant 0 : i32
      %dma_start3A_126 = tpu.memref_slice %arg5[%squeeze3A_118, %dma_start3A_125] : memref<1000x64xf32, #tpu.memory_space<hbm>> -> memref<1x64xf32, #tpu.memory_space<hbm>>
      %dma_start3A_127 = arith.constant 0 : i32
      %dma_start3A_128 = tpu.memref_slice %arg11[%add3A_122, %dma_start3A_127] : memref<256x64xf32, #tpu.memory_space<vmem>> -> memref<1x64xf32, #tpu.memory_space<vmem>>
      %dma_start3A_129 = arith.constant 0 : i32
      %dma_start3A_130 = tpu.memref_slice %arg5[%squeeze3A_118, %dma_start3A_129] : memref<1000x64xf32, #tpu.memory_space<hbm>> -> memref<1x64xf32, #tpu.memory_space<hbm>>
      tpu.enqueue_dma source(%dma_start3A_130 : memref<1x64xf32, #tpu.memory_space<hbm>>) target(%dma_start3A_128 : memref<1x64xf32, #tpu.memory_space<vmem>>) target_semaphore(%arg16 : memref<!tpu.dma_semaphore, #tpu.memory_space<semaphore_mem>>)
      %slice3A_131 = vector.extract_strided_slice %get3A_63 {offsets = [5], sizes = [1], strides = [1]} : vector<16xi32> to vector<1xi32>
      %squeeze3A_132 = vector.extract %slice3A_131[0] : i32 from vector<1xi32>
      %mul3A_133 = arith.constant 16 : i32
      %mul3A_134 = arith.muli %scan3A_58, %mul3A_133 : i32
      %add3A_135 = arith.constant 5 : i32
      %add3A_136 = arith.addi %mul3A_134, %add3A_135 : i32
      %dma_start3A_137 = arith.constant 0 : i32
      %dma_start3A_138 = tpu.memref_slice %arg11[%add3A_136, %dma_start3A_137] : memref<256x64xf32, #tpu.memory_space<vmem>> -> memref<1x64xf32, #tpu.memory_space<vmem>>
      %dma_start3A_139 = arith.constant 0 : i32
      %dma_start3A_140 = tpu.memref_slice %arg5[%squeeze3A_132, %dma_start3A_139] : memref<1000x64xf32, #tpu.memory_space<hbm>> -> memref<1x64xf32, #tpu.memory_space<hbm>>
      %dma_start3A_141 = arith.constant 0 : i32
      %dma_start3A_142 = tpu.memref_slice %arg11[%add3A_136, %dma_start3A_141] : memref<256x64xf32, #tpu.memory_space<vmem>> -> memref<1x64xf32, #tpu.memory_space<vmem>>
      %dma_start3A_143 = arith.constant 0 : i32
      %dma_start3A_144 = tpu.memref_slice %arg5[%squeeze3A_132, %dma_start3A_143] : memref<1000x64xf32, #tpu.memory_space<hbm>> -> memref<1x64xf32, #tpu.memory_space<hbm>>
      tpu.enqueue_dma source(%dma_start3A_144 : memref<1x64xf32, #tpu.memory_space<hbm>>) target(%dma_start3A_142 : memref<1x64xf32, #tpu.memory_space<vmem>>) target_semaphore(%arg17 : memref<!tpu.dma_semaphore, #tpu.memory_space<semaphore_mem>>)
      %slice3A_145 = vector.extract_strided_slice %get3A_63 {offsets = [6], sizes = [1], strides = [1]} : vector<16xi32> to vector<1xi32>
      %squeeze3A_146 = vector.extract %slice3A_145[0] : i32 from vector<1xi32>
      %mul3A_147 = arith.constant 16 : i32
      %mul3A_148 = arith.muli %scan3A_58, %mul3A_147 : i32
      %add3A_149 = arith.constant 6 : i32
      %add3A_150 = arith.addi %mul3A_148, %add3A_149 : i32
      %dma_start3A_151 = arith.constant 0 : i32
      %dma_start3A_152 = tpu.memref_slice %arg11[%add3A_150, %dma_start3A_151] : memref<256x64xf32, #tpu.memory_space<vmem>> -> memref<1x64xf32, #tpu.memory_space<vmem>>
      %dma_start3A_153 = arith.constant 0 : i32
      %dma_start3A_154 = tpu.memref_slice %arg5[%squeeze3A_146, %dma_start3A_153] : memref<1000x64xf32, #tpu.memory_space<hbm>> -> memref<1x64xf32, #tpu.memory_space<hbm>>
      %dma_start3A_155 = arith.constant 0 : i32
      %dma_start3A_156 = tpu.memref_slice %arg11[%add3A_150, %dma_start3A_155] : memref<256x64xf32, #tpu.memory_space<vmem>> -> memref<1x64xf32, #tpu.memory_space<vmem>>
      %dma_start3A_157 = arith.constant 0 : i32
      %dma_start3A_158 = tpu.memref_slice %arg5[%squeeze3A_146, %dma_start3A_157] : memref<1000x64xf32, #tpu.memory_space<hbm>> -> memref<1x64xf32, #tpu.memory_space<hbm>>
      tpu.enqueue_dma source(%dma_start3A_158 : memref<1x64xf32, #tpu.memory_space<hbm>>) target(%dma_start3A_156 : memref<1x64xf32, #tpu.memory_space<vmem>>) target_semaphore(%arg18 : memref<!tpu.dma_semaphore, #tpu.memory_space<semaphore_mem>>)
      %slice3A_159 = vector.extract_strided_slice %get3A_63 {offsets = [7], sizes = [1], strides = [1]} : vector<16xi32> to vector<1xi32>
      %squeeze3A_160 = vector.extract %slice3A_159[0] : i32 from vector<1xi32>
      %mul3A_161 = arith.constant 16 : i32
      %mul3A_162 = arith.muli %scan3A_58, %mul3A_161 : i32
      %add3A_163 = arith.constant 7 : i32
      %add3A_164 = arith.addi %mul3A_162, %add3A_163 : i32
      %dma_start3A_165 = arith.constant 0 : i32
      %dma_start3A_166 = tpu.memref_slice %arg11[%add3A_164, %dma_start3A_165] : memref<256x64xf32, #tpu.memory_space<vmem>> -> memref<1x64xf32, #tpu.memory_space<vmem>>
      %dma_start3A_167 = arith.constant 0 : i32
      %dma_start3A_168 = tpu.memref_slice %arg5[%squeeze3A_160, %dma_start3A_167] : memref<1000x64xf32, #tpu.memory_space<hbm>> -> memref<1x64xf32, #tpu.memory_space<hbm>>
      %dma_start3A_169 = arith.constant 0 : i32
      %dma_start3A_170 = tpu.memref_slice %arg11[%add3A_164, %dma_start3A_169] : memref<256x64xf32, #tpu.memory_space<vmem>> -> memref<1x64xf32, #tpu.memory_space<vmem>>
      %dma_start3A_171 = arith.constant 0 : i32
      %dma_start3A_172 = tpu.memref_slice %arg5[%squeeze3A_160, %dma_start3A_171] : memref<1000x64xf32, #tpu.memory_space<hbm>> -> memref<1x64xf32, #tpu.memory_space<hbm>>
      tpu.enqueue_dma source(%dma_start3A_172 : memref<1x64xf32, #tpu.memory_space<hbm>>) target(%dma_start3A_170 : memref<1x64xf32, #tpu.memory_space<vmem>>) target_semaphore(%arg19 : memref<!tpu.dma_semaphore, #tpu.memory_space<semaphore_mem>>)
      %slice3A_173 = vector.extract_strided_slice %get3A_63 {offsets = [8], sizes = [1], strides = [1]} : vector<16xi32> to vector<1xi32>
      %squeeze3A_174 = vector.extract %slice3A_173[0] : i32 from vector<1xi32>
      %mul3A_175 = arith.constant 16 : i32
      %mul3A_176 = arith.muli %scan3A_58, %mul3A_175 : i32
      %add3A_177 = arith.constant 8 : i32
      %add3A_178 = arith.addi %mul3A_176, %add3A_177 : i32
      %dma_start3A_179 = arith.constant 0 : i32
      %dma_start3A_180 = tpu.memref_slice %arg11[%add3A_178, %dma_start3A_179] : memref<256x64xf32, #tpu.memory_space<vmem>> -> memref<1x64xf32, #tpu.memory_space<vmem>>
      %dma_start3A_181 = arith.constant 0 : i32
      %dma_start3A_182 = tpu.memref_slice %arg5[%squeeze3A_174, %dma_start3A_181] : memref<1000x64xf32, #tpu.memory_space<hbm>> -> memref<1x64xf32, #tpu.memory_space<hbm>>
      %dma_start3A_183 = arith.constant 0 : i32
      %dma_start3A_184 = tpu.memref_slice %arg11[%add3A_178, %dma_start3A_183] : memref<256x64xf32, #tpu.memory_space<vmem>> -> memref<1x64xf32, #tpu.memory_space<vmem>>
      %dma_start3A_185 = arith.constant 0 : i32
      %dma_start3A_186 = tpu.memref_slice %arg5[%squeeze3A_174, %dma_start3A_185] : memref<1000x64xf32, #tpu.memory_space<hbm>> -> memref<1x64xf32, #tpu.memory_space<hbm>>
      tpu.enqueue_dma source(%dma_start3A_186 : memref<1x64xf32, #tpu.memory_space<hbm>>) target(%dma_start3A_184 : memref<1x64xf32, #tpu.memory_space<vmem>>) target_semaphore(%arg16 : memref<!tpu.dma_semaphore, #tpu.memory_space<semaphore_mem>>)
      %slice3A_187 = vector.extract_strided_slice %get3A_63 {offsets = [9], sizes = [1], strides = [1]} : vector<16xi32> to vector<1xi32>
      %squeeze3A_188 = vector.extract %slice3A_187[0] : i32 from vector<1xi32>
      %mul3A_189 = arith.constant 16 : i32
      %mul3A_190 = arith.muli %scan3A_58, %mul3A_189 : i32
      %add3A_191 = arith.constant 9 : i32
      %add3A_192 = arith.addi %mul3A_190, %add3A_191 : i32
      %dma_start3A_193 = arith.constant 0 : i32
      %dma_start3A_194 = tpu.memref_slice %arg11[%add3A_192, %dma_start3A_193] : memref<256x64xf32, #tpu.memory_space<vmem>> -> memref<1x64xf32, #tpu.memory_space<vmem>>
      %dma_start3A_195 = arith.constant 0 : i32
      %dma_start3A_196 = tpu.memref_slice %arg5[%squeeze3A_188, %dma_start3A_195] : memref<1000x64xf32, #tpu.memory_space<hbm>> -> memref<1x64xf32, #tpu.memory_space<hbm>>
      %dma_start3A_197 = arith.constant 0 : i32
      %dma_start3A_198 = tpu.memref_slice %arg11[%add3A_192, %dma_start3A_197] : memref<256x64xf32, #tpu.memory_space<vmem>> -> memref<1x64xf32, #tpu.memory_space<vmem>>
      %dma_start3A_199 = arith.constant 0 : i32
      %dma_start3A_200 = tpu.memref_slice %arg5[%squeeze3A_188, %dma_start3A_199] : memref<1000x64xf32, #tpu.memory_space<hbm>> -> memref<1x64xf32, #tpu.memory_space<hbm>>
      tpu.enqueue_dma source(%dma_start3A_200 : memref<1x64xf32, #tpu.memory_space<hbm>>) target(%dma_start3A_198 : memref<1x64xf32, #tpu.memory_space<vmem>>) target_semaphore(%arg17 : memref<!tpu.dma_semaphore, #tpu.memory_space<semaphore_mem>>)
      %slice3A_201 = vector.extract_strided_slice %get3A_63 {offsets = [10], sizes = [1], strides = [1]} : vector<16xi32> to vector<1xi32>
      %squeeze3A_202 = vector.extract %slice3A_201[0] : i32 from vector<1xi32>
      %mul3A_203 = arith.constant 16 : i32
      %mul3A_204 = arith.muli %scan3A_58, %mul3A_203 : i32
      %add3A_205 = arith.constant 10 : i32
      %add3A_206 = arith.addi %mul3A_204, %add3A_205 : i32
      %dma_start3A_207 = arith.constant 0 : i32
      %dma_start3A_208 = tpu.memref_slice %arg11[%add3A_206, %dma_start3A_207] : memref<256x64xf32, #tpu.memory_space<vmem>> -> memref<1x64xf32, #tpu.memory_space<vmem>>
      %dma_start3A_209 = arith.constant 0 : i32
      %dma_start3A_210 = tpu.memref_slice %arg5[%squeeze3A_202, %dma_start3A_209] : memref<1000x64xf32, #tpu.memory_space<hbm>> -> memref<1x64xf32, #tpu.memory_space<hbm>>
      %dma_start3A_211 = arith.constant 0 : i32
      %dma_start3A_212 = tpu.memref_slice %arg11[%add3A_206, %dma_start3A_211] : memref<256x64xf32, #tpu.memory_space<vmem>> -> memref<1x64xf32, #tpu.memory_space<vmem>>
      %dma_start3A_213 = arith.constant 0 : i32
      %dma_start3A_214 = tpu.memref_slice %arg5[%squeeze3A_202, %dma_start3A_213] : memref<1000x64xf32, #tpu.memory_space<hbm>> -> memref<1x64xf32, #tpu.memory_space<hbm>>
      tpu.enqueue_dma source(%dma_start3A_214 : memref<1x64xf32, #tpu.memory_space<hbm>>) target(%dma_start3A_212 : memref<1x64xf32, #tpu.memory_space<vmem>>) target_semaphore(%arg18 : memref<!tpu.dma_semaphore, #tpu.memory_space<semaphore_mem>>)
      %slice3A_215 = vector.extract_strided_slice %get3A_63 {offsets = [11], sizes = [1], strides = [1]} : vector<16xi32> to vector<1xi32>
      %squeeze3A_216 = vector.extract %slice3A_215[0] : i32 from vector<1xi32>
      %mul3A_217 = arith.constant 16 : i32
      %mul3A_218 = arith.muli %scan3A_58, %mul3A_217 : i32
      %add3A_219 = arith.constant 11 : i32
      %add3A_220 = arith.addi %mul3A_218, %add3A_219 : i32
      %dma_start3A_221 = arith.constant 0 : i32
      %dma_start3A_222 = tpu.memref_slice %arg11[%add3A_220, %dma_start3A_221] : memref<256x64xf32, #tpu.memory_space<vmem>> -> memref<1x64xf32, #tpu.memory_space<vmem>>
      %dma_start3A_223 = arith.constant 0 : i32
      %dma_start3A_224 = tpu.memref_slice %arg5[%squeeze3A_216, %dma_start3A_223] : memref<1000x64xf32, #tpu.memory_space<hbm>> -> memref<1x64xf32, #tpu.memory_space<hbm>>
      %dma_start3A_225 = arith.constant 0 : i32
      %dma_start3A_226 = tpu.memref_slice %arg11[%add3A_220, %dma_start3A_225] : memref<256x64xf32, #tpu.memory_space<vmem>> -> memref<1x64xf32, #tpu.memory_space<vmem>>
      %dma_start3A_227 = arith.constant 0 : i32
      %dma_start3A_228 = tpu.memref_slice %arg5[%squeeze3A_216, %dma_start3A_227] : memref<1000x64xf32, #tpu.memory_space<hbm>> -> memref<1x64xf32, #tpu.memory_space<hbm>>
      tpu.enqueue_dma source(%dma_start3A_228 : memref<1x64xf32, #tpu.memory_space<hbm>>) target(%dma_start3A_226 : memref<1x64xf32, #tpu.memory_space<vmem>>) target_semaphore(%arg19 : memref<!tpu.dma_semaphore, #tpu.memory_space<semaphore_mem>>)
      %slice3A_229 = vector.extract_strided_slice %get3A_63 {offsets = [12], sizes = [1], strides = [1]} : vector<16xi32> to vector<1xi32>
      %squeeze3A_230 = vector.extract %slice3A_229[0] : i32 from vector<1xi32>
      %mul3A_231 = arith.constant 16 : i32
      %mul3A_232 = arith.muli %scan3A_58, %mul3A_231 : i32
      %add3A_233 = arith.constant 12 : i32
      %add3A_234 = arith.addi %mul3A_232, %add3A_233 : i32
      %dma_start3A_235 = arith.constant 0 : i32
      %dma_start3A_236 = tpu.memref_slice %arg11[%add3A_234, %dma_start3A_235] : memref<256x64xf32, #tpu.memory_space<vmem>> -> memref<1x64xf32, #tpu.memory_space<vmem>>
      %dma_start3A_237 = arith.constant 0 : i32
      %dma_start3A_238 = tpu.memref_slice %arg5[%squeeze3A_230, %dma_start3A_237] : memref<1000x64xf32, #tpu.memory_space<hbm>> -> memref<1x64xf32, #tpu.memory_space<hbm>>
      %dma_start3A_239 = arith.constant 0 : i32
      %dma_start3A_240 = tpu.memref_slice %arg11[%add3A_234, %dma_start3A_239] : memref<256x64xf32, #tpu.memory_space<vmem>> -> memref<1x64xf32, #tpu.memory_space<vmem>>
      %dma_start3A_241 = arith.constant 0 : i32
      %dma_start3A_242 = tpu.memref_slice %arg5[%squeeze3A_230, %dma_start3A_241] : memref<1000x64xf32, #tpu.memory_space<hbm>> -> memref<1x64xf32, #tpu.memory_space<hbm>>
      tpu.enqueue_dma source(%dma_start3A_242 : memref<1x64xf32, #tpu.memory_space<hbm>>) target(%dma_start3A_240 : memref<1x64xf32, #tpu.memory_space<vmem>>) target_semaphore(%arg16 : memref<!tpu.dma_semaphore, #tpu.memory_space<semaphore_mem>>)
      %slice3A_243 = vector.extract_strided_slice %get3A_63 {offsets = [13], sizes = [1], strides = [1]} : vector<16xi32> to vector<1xi32>
      %squeeze3A_244 = vector.extract %slice3A_243[0] : i32 from vector<1xi32>
      %mul3A_245 = arith.constant 16 : i32
      %mul3A_246 = arith.muli %scan3A_58, %mul3A_245 : i32
      %add3A_247 = arith.constant 13 : i32
      %add3A_248 = arith.addi %mul3A_246, %add3A_247 : i32
      %dma_start3A_249 = arith.constant 0 : i32
      %dma_start3A_250 = tpu.memref_slice %arg11[%add3A_248, %dma_start3A_249] : memref<256x64xf32, #tpu.memory_space<vmem>> -> memref<1x64xf32, #tpu.memory_space<vmem>>
      %dma_start3A_251 = arith.constant 0 : i32
      %dma_start3A_252 = tpu.memref_slice %arg5[%squeeze3A_244, %dma_start3A_251] : memref<1000x64xf32, #tpu.memory_space<hbm>> -> memref<1x64xf32, #tpu.memory_space<hbm>>
      %dma_start3A_253 = arith.constant 0 : i32
      %dma_start3A_254 = tpu.memref_slice %arg11[%add3A_248, %dma_start3A_253] : memref<256x64xf32, #tpu.memory_space<vmem>> -> memref<1x64xf32, #tpu.memory_space<vmem>>
      %dma_start3A_255 = arith.constant 0 : i32
      %dma_start3A_256 = tpu.memref_slice %arg5[%squeeze3A_244, %dma_start3A_255] : memref<1000x64xf32, #tpu.memory_space<hbm>> -> memref<1x64xf32, #tpu.memory_space<hbm>>
      tpu.enqueue_dma source(%dma_start3A_256 : memref<1x64xf32, #tpu.memory_space<hbm>>) target(%dma_start3A_254 : memref<1x64xf32, #tpu.memory_space<vmem>>) target_semaphore(%arg17 : memref<!tpu.dma_semaphore, #tpu.memory_space<semaphore_mem>>)
      %slice3A_257 = vector.extract_strided_slice %get3A_63 {offsets = [14], sizes = [1], strides = [1]} : vector<16xi32> to vector<1xi32>
      %squeeze3A_258 = vector.extract %slice3A_257[0] : i32 from vector<1xi32>
      %mul3A_259 = arith.constant 16 : i32
      %mul3A_260 = arith.muli %scan3A_58, %mul3A_259 : i32
      %add3A_261 = arith.constant 14 : i32
      %add3A_262 = arith.addi %mul3A_260, %add3A_261 : i32
      %dma_start3A_263 = arith.constant 0 : i32
      %dma_start3A_264 = tpu.memref_slice %arg11[%add3A_262, %dma_start3A_263] : memref<256x64xf32, #tpu.memory_space<vmem>> -> memref<1x64xf32, #tpu.memory_space<vmem>>
      %dma_start3A_265 = arith.constant 0 : i32
      %dma_start3A_266 = tpu.memref_slice %arg5[%squeeze3A_258, %dma_start3A_265] : memref<1000x64xf32, #tpu.memory_space<hbm>> -> memref<1x64xf32, #tpu.memory_space<hbm>>
      %dma_start3A_267 = arith.constant 0 : i32
      %dma_start3A_268 = tpu.memref_slice %arg11[%add3A_262, %dma_start3A_267] : memref<256x64xf32, #tpu.memory_space<vmem>> -> memref<1x64xf32, #tpu.memory_space<vmem>>
      %dma_start3A_269 = arith.constant 0 : i32
      %dma_start3A_270 = tpu.memref_slice %arg5[%squeeze3A_258, %dma_start3A_269] : memref<1000x64xf32, #tpu.memory_space<hbm>> -> memref<1x64xf32, #tpu.memory_space<hbm>>
      tpu.enqueue_dma source(%dma_start3A_270 : memref<1x64xf32, #tpu.memory_space<hbm>>) target(%dma_start3A_268 : memref<1x64xf32, #tpu.memory_space<vmem>>) target_semaphore(%arg18 : memref<!tpu.dma_semaphore, #tpu.memory_space<semaphore_mem>>)
      %slice3A_271 = vector.extract_strided_slice %get3A_63 {offsets = [15], sizes = [1], strides = [1]} : vector<16xi32> to vector<1xi32>
      %squeeze3A_272 = vector.extract %slice3A_271[0] : i32 from vector<1xi32>
      %mul3A_273 = arith.constant 16 : i32
      %mul3A_274 = arith.muli %scan3A_58, %mul3A_273 : i32
      %add3A_275 = arith.constant 15 : i32
      %add3A_276 = arith.addi %mul3A_274, %add3A_275 : i32
      %dma_start3A_277 = arith.constant 0 : i32
      %dma_start3A_278 = tpu.memref_slice %arg11[%add3A_276, %dma_start3A_277] : memref<256x64xf32, #tpu.memory_space<vmem>> -> memref<1x64xf32, #tpu.memory_space<vmem>>
      %dma_start3A_279 = arith.constant 0 : i32
      %dma_start3A_280 = tpu.memref_slice %arg5[%squeeze3A_272, %dma_start3A_279] : memref<1000x64xf32, #tpu.memory_space<hbm>> -> memref<1x64xf32, #tpu.memory_space<hbm>>
      %dma_start3A_281 = arith.constant 0 : i32
      %dma_start3A_282 = tpu.memref_slice %arg11[%add3A_276, %dma_start3A_281] : memref<256x64xf32, #tpu.memory_space<vmem>> -> memref<1x64xf32, #tpu.memory_space<vmem>>
      %dma_start3A_283 = arith.constant 0 : i32
      %dma_start3A_284 = tpu.memref_slice %arg5[%squeeze3A_272, %dma_start3A_283] : memref<1000x64xf32, #tpu.memory_space<hbm>> -> memref<1x64xf32, #tpu.memory_space<hbm>>
      tpu.enqueue_dma source(%dma_start3A_284 : memref<1x64xf32, #tpu.memory_space<hbm>>) target(%dma_start3A_282 : memref<1x64xf32, #tpu.memory_space<vmem>>) target_semaphore(%arg19 : memref<!tpu.dma_semaphore, #tpu.memory_space<semaphore_mem>>)
    }
    %scan3A_41 = arith.constant 16 : i32
    %scan3A_42 = arith.constant 0 : i32
    %scan3A_43 = arith.constant 0 : i32
    %scan3A_44 = arith.constant 64 : i32
    %scan3A_45 = arith.addi %scan3A_43, %scan3A_44 : i32
    %scan3A_46 = arith.constant 1 : i32
    scf.for %scan3A_58 = %scan3A_43 to %scan3A_45 step %scan3A_46  : i32 {
      %dma_wait3A = arith.constant 0 : i32
      %dma_wait3A_59 = tpu.memref_slice %arg10[%scan3A_58, %dma_wait3A] : memref<256x64xf32, #tpu.memory_space<vmem>> -> memref<1x64xf32, #tpu.memory_space<vmem>>
      %dma_wait3A_60 = arith.constant 0 : i32
      %dma_wait3A_61 = arith.constant 0 : i32
      %dma_wait3A_62 = tpu.memref_slice %arg4[%dma_wait3A_60, %dma_wait3A_61] : memref<1000000x64xf32, #tpu.memory_space<hbm>> -> memref<1x64xf32, #tpu.memory_space<hbm>>
      %dma_wait3A_63 = arith.constant 0 : i32
      %dma_wait3A_64 = tpu.memref_slice %arg10[%scan3A_58, %dma_wait3A_63] : memref<256x64xf32, #tpu.memory_space<vmem>> -> memref<1x64xf32, #tpu.memory_space<vmem>>
      %dma_wait3A_65 = arith.constant 0 : i32
      %dma_wait3A_66 = arith.constant 0 : i32
      %dma_wait3A_67 = tpu.memref_slice %arg4[%dma_wait3A_65, %dma_wait3A_66] : memref<1000000x64xf32, #tpu.memory_space<hbm>> -> memref<1x64xf32, #tpu.memory_space<hbm>>
      tpu.wait_dma2 semaphore(%arg12 : memref<!tpu.dma_semaphore, #tpu.memory_space<semaphore_mem>>) src(%dma_wait3A_67 : memref<1x64xf32, #tpu.memory_space<hbm>>) dst(%dma_wait3A_64 : memref<1x64xf32, #tpu.memory_space<vmem>>)
      %dma_wait3A_68 = arith.constant 0 : i32
      %dma_wait3A_69 = tpu.memref_slice %arg10[%scan3A_58, %dma_wait3A_68] : memref<256x64xf32, #tpu.memory_space<vmem>> -> memref<1x64xf32, #tpu.memory_space<vmem>>
      %dma_wait3A_70 = arith.constant 0 : i32
      %dma_wait3A_71 = arith.constant 0 : i32
      %dma_wait3A_72 = tpu.memref_slice %arg4[%dma_wait3A_70, %dma_wait3A_71] : memref<1000000x64xf32, #tpu.memory_space<hbm>> -> memref<1x64xf32, #tpu.memory_space<hbm>>
      %dma_wait3A_73 = arith.constant 0 : i32
      %dma_wait3A_74 = tpu.memref_slice %arg10[%scan3A_58, %dma_wait3A_73] : memref<256x64xf32, #tpu.memory_space<vmem>> -> memref<1x64xf32, #tpu.memory_space<vmem>>
      %dma_wait3A_75 = arith.constant 0 : i32
      %dma_wait3A_76 = arith.constant 0 : i32
      %dma_wait3A_77 = tpu.memref_slice %arg4[%dma_wait3A_75, %dma_wait3A_76] : memref<1000000x64xf32, #tpu.memory_space<hbm>> -> memref<1x64xf32, #tpu.memory_space<hbm>>
      tpu.wait_dma2 semaphore(%arg13 : memref<!tpu.dma_semaphore, #tpu.memory_space<semaphore_mem>>) src(%dma_wait3A_77 : memref<1x64xf32, #tpu.memory_space<hbm>>) dst(%dma_wait3A_74 : memref<1x64xf32, #tpu.memory_space<vmem>>)
      %dma_wait3A_78 = arith.constant 0 : i32
      %dma_wait3A_79 = tpu.memref_slice %arg10[%scan3A_58, %dma_wait3A_78] : memref<256x64xf32, #tpu.memory_space<vmem>> -> memref<1x64xf32, #tpu.memory_space<vmem>>
      %dma_wait3A_80 = arith.constant 0 : i32
      %dma_wait3A_81 = arith.constant 0 : i32
      %dma_wait3A_82 = tpu.memref_slice %arg4[%dma_wait3A_80, %dma_wait3A_81] : memref<1000000x64xf32, #tpu.memory_space<hbm>> -> memref<1x64xf32, #tpu.memory_space<hbm>>
      %dma_wait3A_83 = arith.constant 0 : i32
      %dma_wait3A_84 = tpu.memref_slice %arg10[%scan3A_58, %dma_wait3A_83] : memref<256x64xf32, #tpu.memory_space<vmem>> -> memref<1x64xf32, #tpu.memory_space<vmem>>
      %dma_wait3A_85 = arith.constant 0 : i32
      %dma_wait3A_86 = arith.constant 0 : i32
      %dma_wait3A_87 = tpu.memref_slice %arg4[%dma_wait3A_85, %dma_wait3A_86] : memref<1000000x64xf32, #tpu.memory_space<hbm>> -> memref<1x64xf32, #tpu.memory_space<hbm>>
      tpu.wait_dma2 semaphore(%arg14 : memref<!tpu.dma_semaphore, #tpu.memory_space<semaphore_mem>>) src(%dma_wait3A_87 : memref<1x64xf32, #tpu.memory_space<hbm>>) dst(%dma_wait3A_84 : memref<1x64xf32, #tpu.memory_space<vmem>>)
      %dma_wait3A_88 = arith.constant 0 : i32
      %dma_wait3A_89 = tpu.memref_slice %arg10[%scan3A_58, %dma_wait3A_88] : memref<256x64xf32, #tpu.memory_space<vmem>> -> memref<1x64xf32, #tpu.memory_space<vmem>>
      %dma_wait3A_90 = arith.constant 0 : i32
      %dma_wait3A_91 = arith.constant 0 : i32
      %dma_wait3A_92 = tpu.memref_slice %arg4[%dma_wait3A_90, %dma_wait3A_91] : memref<1000000x64xf32, #tpu.memory_space<hbm>> -> memref<1x64xf32, #tpu.memory_space<hbm>>
      %dma_wait3A_93 = arith.constant 0 : i32
      %dma_wait3A_94 = tpu.memref_slice %arg10[%scan3A_58, %dma_wait3A_93] : memref<256x64xf32, #tpu.memory_space<vmem>> -> memref<1x64xf32, #tpu.memory_space<vmem>>
      %dma_wait3A_95 = arith.constant 0 : i32
      %dma_wait3A_96 = arith.constant 0 : i32
      %dma_wait3A_97 = tpu.memref_slice %arg4[%dma_wait3A_95, %dma_wait3A_96] : memref<1000000x64xf32, #tpu.memory_space<hbm>> -> memref<1x64xf32, #tpu.memory_space<hbm>>
      tpu.wait_dma2 semaphore(%arg15 : memref<!tpu.dma_semaphore, #tpu.memory_space<semaphore_mem>>) src(%dma_wait3A_97 : memref<1x64xf32, #tpu.memory_space<hbm>>) dst(%dma_wait3A_94 : memref<1x64xf32, #tpu.memory_space<vmem>>)
    }
    %scan3A_47 = arith.constant 64 : i32
    %add3A_48 = arith.constant 256 : i32
    %add3A_49 = arith.addi %mul3A_2, %add3A_48 : i32
    "tpu.region"() ({
      %run_scoped3A = tpu.sem_alloc : memref<!tpu.dma_semaphore, #tpu.memory_space<semaphore_mem>>
      %dma_start3A = arith.constant 0 : i32
      %dma_start3A_58 = tpu.memref_slice %arg6[%add3A_49, %dma_start3A] : memref<16384x64xf32, #tpu.memory_space<hbm>> -> memref<256x64xf32, #tpu.memory_space<hbm>>
      %dma_start3A_59 = arith.constant 0 : i32
      %dma_start3A_60 = tpu.memref_slice %arg6[%add3A_49, %dma_start3A_59] : memref<16384x64xf32, #tpu.memory_space<hbm>> -> memref<256x64xf32, #tpu.memory_space<hbm>>
      tpu.enqueue_dma source(%arg10 : memref<256x64xf32, #tpu.memory_space<vmem>>) target(%dma_start3A_60 : memref<256x64xf32, #tpu.memory_space<hbm>>) target_semaphore(%run_scoped3A : memref<!tpu.dma_semaphore, #tpu.memory_space<semaphore_mem>>)
      %dma_wait3A = arith.constant 0 : i32
      %dma_wait3A_61 = tpu.memref_slice %arg6[%add3A_49, %dma_wait3A] : memref<16384x64xf32, #tpu.memory_space<hbm>> -> memref<256x64xf32, #tpu.memory_space<hbm>>
      %dma_wait3A_62 = arith.constant 0 : i32
      %dma_wait3A_63 = tpu.memref_slice %arg6[%add3A_49, %dma_wait3A_62] : memref<16384x64xf32, #tpu.memory_space<hbm>> -> memref<256x64xf32, #tpu.memory_space<hbm>>
      tpu.wait_dma2 semaphore(%run_scoped3A : memref<!tpu.dma_semaphore, #tpu.memory_space<semaphore_mem>>) src(%arg10 : memref<256x64xf32, #tpu.memory_space<vmem>>) dst(%dma_wait3A_63 : memref<256x64xf32, #tpu.memory_space<hbm>>)
      tpu.yield
    }) : () -> ()
    %scan3A_50 = arith.constant 0 : i32
    %scan3A_51 = arith.constant 0 : i32
    %scan3A_52 = arith.constant 64 : i32
    %scan3A_53 = arith.addi %scan3A_51, %scan3A_52 : i32
    %scan3A_54 = arith.constant 1 : i32
    scf.for %scan3A_58 = %scan3A_51 to %scan3A_53 step %scan3A_54  : i32 {
      %dma_wait3A = arith.constant 0 : i32
      %dma_wait3A_59 = tpu.memref_slice %arg11[%scan3A_58, %dma_wait3A] : memref<256x64xf32, #tpu.memory_space<vmem>> -> memref<1x64xf32, #tpu.memory_space<vmem>>
      %dma_wait3A_60 = arith.constant 0 : i32
      %dma_wait3A_61 = arith.constant 0 : i32
      %dma_wait3A_62 = tpu.memref_slice %arg5[%dma_wait3A_60, %dma_wait3A_61] : memref<1000x64xf32, #tpu.memory_space<hbm>> -> memref<1x64xf32, #tpu.memory_space<hbm>>
      %dma_wait3A_63 = arith.constant 0 : i32
      %dma_wait3A_64 = tpu.memref_slice %arg11[%scan3A_58, %dma_wait3A_63] : memref<256x64xf32, #tpu.memory_space<vmem>> -> memref<1x64xf32, #tpu.memory_space<vmem>>
      %dma_wait3A_65 = arith.constant 0 : i32
      %dma_wait3A_66 = arith.constant 0 : i32
      %dma_wait3A_67 = tpu.memref_slice %arg5[%dma_wait3A_65, %dma_wait3A_66] : memref<1000x64xf32, #tpu.memory_space<hbm>> -> memref<1x64xf32, #tpu.memory_space<hbm>>
      tpu.wait_dma2 semaphore(%arg16 : memref<!tpu.dma_semaphore, #tpu.memory_space<semaphore_mem>>) src(%dma_wait3A_67 : memref<1x64xf32, #tpu.memory_space<hbm>>) dst(%dma_wait3A_64 : memref<1x64xf32, #tpu.memory_space<vmem>>)
      %dma_wait3A_68 = arith.constant 0 : i32
      %dma_wait3A_69 = tpu.memref_slice %arg11[%scan3A_58, %dma_wait3A_68] : memref<256x64xf32, #tpu.memory_space<vmem>> -> memref<1x64xf32, #tpu.memory_space<vmem>>
      %dma_wait3A_70 = arith.constant 0 : i32
      %dma_wait3A_71 = arith.constant 0 : i32
      %dma_wait3A_72 = tpu.memref_slice %arg5[%dma_wait3A_70, %dma_wait3A_71] : memref<1000x64xf32, #tpu.memory_space<hbm>> -> memref<1x64xf32, #tpu.memory_space<hbm>>
      %dma_wait3A_73 = arith.constant 0 : i32
      %dma_wait3A_74 = tpu.memref_slice %arg11[%scan3A_58, %dma_wait3A_73] : memref<256x64xf32, #tpu.memory_space<vmem>> -> memref<1x64xf32, #tpu.memory_space<vmem>>
      %dma_wait3A_75 = arith.constant 0 : i32
      %dma_wait3A_76 = arith.constant 0 : i32
      %dma_wait3A_77 = tpu.memref_slice %arg5[%dma_wait3A_75, %dma_wait3A_76] : memref<1000x64xf32, #tpu.memory_space<hbm>> -> memref<1x64xf32, #tpu.memory_space<hbm>>
      tpu.wait_dma2 semaphore(%arg17 : memref<!tpu.dma_semaphore, #tpu.memory_space<semaphore_mem>>) src(%dma_wait3A_77 : memref<1x64xf32, #tpu.memory_space<hbm>>) dst(%dma_wait3A_74 : memref<1x64xf32, #tpu.memory_space<vmem>>)
      %dma_wait3A_78 = arith.constant 0 : i32
      %dma_wait3A_79 = tpu.memref_slice %arg11[%scan3A_58, %dma_wait3A_78] : memref<256x64xf32, #tpu.memory_space<vmem>> -> memref<1x64xf32, #tpu.memory_space<vmem>>
      %dma_wait3A_80 = arith.constant 0 : i32
      %dma_wait3A_81 = arith.constant 0 : i32
      %dma_wait3A_82 = tpu.memref_slice %arg5[%dma_wait3A_80, %dma_wait3A_81] : memref<1000x64xf32, #tpu.memory_space<hbm>> -> memref<1x64xf32, #tpu.memory_space<hbm>>
      %dma_wait3A_83 = arith.constant 0 : i32
      %dma_wait3A_84 = tpu.memref_slice %arg11[%scan3A_58, %dma_wait3A_83] : memref<256x64xf32, #tpu.memory_space<vmem>> -> memref<1x64xf32, #tpu.memory_space<vmem>>
      %dma_wait3A_85 = arith.constant 0 : i32
      %dma_wait3A_86 = arith.constant 0 : i32
      %dma_wait3A_87 = tpu.memref_slice %arg5[%dma_wait3A_85, %dma_wait3A_86] : memref<1000x64xf32, #tpu.memory_space<hbm>> -> memref<1x64xf32, #tpu.memory_space<hbm>>
      tpu.wait_dma2 semaphore(%arg18 : memref<!tpu.dma_semaphore, #tpu.memory_space<semaphore_mem>>) src(%dma_wait3A_87 : memref<1x64xf32, #tpu.memory_space<hbm>>) dst(%dma_wait3A_84 : memref<1x64xf32, #tpu.memory_space<vmem>>)
      %dma_wait3A_88 = arith.constant 0 : i32
      %dma_wait3A_89 = tpu.memref_slice %arg11[%scan3A_58, %dma_wait3A_88] : memref<256x64xf32, #tpu.memory_space<vmem>> -> memref<1x64xf32, #tpu.memory_space<vmem>>
      %dma_wait3A_90 = arith.constant 0 : i32
      %dma_wait3A_91 = arith.constant 0 : i32
      %dma_wait3A_92 = tpu.memref_slice %arg5[%dma_wait3A_90, %dma_wait3A_91] : memref<1000x64xf32, #tpu.memory_space<hbm>> -> memref<1x64xf32, #tpu.memory_space<hbm>>
      %dma_wait3A_93 = arith.constant 0 : i32
      %dma_wait3A_94 = tpu.memref_slice %arg11[%scan3A_58, %dma_wait3A_93] : memref<256x64xf32, #tpu.memory_space<vmem>> -> memref<1x64xf32, #tpu.memory_space<vmem>>
      %dma_wait3A_95 = arith.constant 0 : i32
      %dma_wait3A_96 = arith.constant 0 : i32
      %dma_wait3A_97 = tpu.memref_slice %arg5[%dma_wait3A_95, %dma_wait3A_96] : memref<1000x64xf32, #tpu.memory_space<hbm>> -> memref<1x64xf32, #tpu.memory_space<hbm>>
      tpu.wait_dma2 semaphore(%arg19 : memref<!tpu.dma_semaphore, #tpu.memory_space<semaphore_mem>>) src(%dma_wait3A_97 : memref<1x64xf32, #tpu.memory_space<hbm>>) dst(%dma_wait3A_94 : memref<1x64xf32, #tpu.memory_space<vmem>>)
    }
    %scan3A_55 = arith.constant 64 : i32
    %add3A_56 = arith.constant 256 : i32
    %add3A_57 = arith.addi %mul3A_2, %add3A_56 : i32
    "tpu.region"() ({
      %run_scoped3A = tpu.sem_alloc : memref<!tpu.dma_semaphore, #tpu.memory_space<semaphore_mem>>
      %dma_start3A = arith.constant 0 : i32
      %dma_start3A_58 = tpu.memref_slice %arg7[%add3A_57, %dma_start3A] : memref<16384x64xf32, #tpu.memory_space<hbm>> -> memref<256x64xf32, #tpu.memory_space<hbm>>
      %dma_start3A_59 = arith.constant 0 : i32
      %dma_start3A_60 = tpu.memref_slice %arg7[%add3A_57, %dma_start3A_59] : memref<16384x64xf32, #tpu.memory_space<hbm>> -> memref<256x64xf32, #tpu.memory_space<hbm>>
      tpu.enqueue_dma source(%arg11 : memref<256x64xf32, #tpu.memory_space<vmem>>) target(%dma_start3A_60 : memref<256x64xf32, #tpu.memory_space<hbm>>) target_semaphore(%run_scoped3A : memref<!tpu.dma_semaphore, #tpu.memory_space<semaphore_mem>>)
      %dma_wait3A = arith.constant 0 : i32
      %dma_wait3A_61 = tpu.memref_slice %arg7[%add3A_57, %dma_wait3A] : memref<16384x64xf32, #tpu.memory_space<hbm>> -> memref<256x64xf32, #tpu.memory_space<hbm>>
      %dma_wait3A_62 = arith.constant 0 : i32
      %dma_wait3A_63 = tpu.memref_slice %arg7[%add3A_57, %dma_wait3A_62] : memref<16384x64xf32, #tpu.memory_space<hbm>> -> memref<256x64xf32, #tpu.memory_space<hbm>>
      tpu.wait_dma2 semaphore(%run_scoped3A : memref<!tpu.dma_semaphore, #tpu.memory_space<semaphore_mem>>) src(%arg11 : memref<256x64xf32, #tpu.memory_space<vmem>>) dst(%dma_wait3A_63 : memref<256x64xf32, #tpu.memory_space<hbm>>)
      tpu.yield
    }) : () -> ()
    return
  }
}

</mosaic_0001>

<sc_bundles>
// kernel: kernel.3.cloned.1.call-start
scs
__scs_entry_jumppad:
0x0: {  	(pc) =	sbr.rel $0x88, $3  }
0x1: {  	(tag) =	ssettag $0x0;
	lr =	simm.s32 $0x1  }
0x2: {  	[smem:$0x3F9D] =	sst lr;
	_ =	strace $0xD0000000  }
0x3: {  	_ = 	snop  }
0x4: {  	_ = 	snop  }
0x5: {  	_ = 	snop  }
0x6: {  	_ = 	snop  }
0x7: {  	_ = 	snop  }
__scs_overlays_trampoline_lowered:
0x8: {  	[smem:$0x3FAC] =	sst s0  }
0x9: {  	[smem:$0x3FAD] =	sst s1  }
0xa: {  	[smem:$0x3FAE] =	sst s2  }
0xb: {  	[smem:$0x3FAF] =	sst s3  }
0xc: {  	[smem:$0x3FB0] =	sst s4  }
0xd: {  	[smem:$0x3FB1] =	sst s5  }
0xe: {  	[smem:$0x3FB2] =	sst s6  }
0xf: {  	[smem:$0x3FB3] =	sst s7  }
0x10: {  	[smem:$0x3FB4] =	sst s8  }
0x11: {  	[smem:$0x3FB5] =	sst s9;
	s0 =	simm.s32 @!p0 $0x0  }
0x12: {  	s1 =	sld [smem:$0x3F9B];
	s0 =	simm.s32 @p0 $0x1  }
0x13: {  	[smem:$0x3FB6] =	sst s0;
	s0 =	simm.s32 @!p1 $0x0  }
0x14: {  	s2 =	sld [smem:$0x3F9A];
	s0 =	simm.s32 @p1 $0x1  }
0x15: {  	[smem:$0x3FB7] =	sst s0;
	s0 =	simm.s32 @!p2 $0x0  }
0x16: {  	s3 =	sld [smem:$0x3FDB];
	s0 =	simm.s32 @p2 $0x1  }
0x17: {  	s4 =	simm.s32 $0x1BF5;
	[smem:$0x3FB9] =	sst s0  }
0x18: {  	s0 =	sld [smem:$0x3F9C];
	_ =	swait.ge [sflag:s4], $0x0  }
0x19: {  	s7 =	sld [smem:$0x3F9D]  }
0x1a: {  	s8 =	sadd.s32 $0xFFFFE003, lr  }
0x1b: {  	s9 =	sadd.s32 $0xFFFFFEF7, lr;
	s5 =	simm.s32 $0xFFFFFFFF;
	p2 =	slt.u32 s8, $0xFFFFF086  }
0x1c: {  	p1 =	slt.u32 s9, $0xF7A;
	s5 =	simm.s32 @!p2 $0x0  }
0x1d: {  	s5 =	simm.s32 @p1 $0x1;
	p0 =	seq.s32 s7, s2  }
0x1e: {  	s7 =	smul.u32 @!p0 $0xF7A, s2;
	p2 =	seq.s32 @!p0 s5, $0x0  }
0x1f: {  	s9 =	smul.u32 $0xF7A, s1;
	s8 =	simm.s32 @!p0 $0x1BF5;
	p2 =	por !p2, p0  }
0x20: {  	[sflag:s8] =	ssyncset.s32 @!p0 $0xFFFFF086;
	s6 =	sadd.s32 @!p0 s3, s7;
	s7 =	simm.s32 @!p0 $0x108  }
0x21: {  	s3 =	sadd.s32 s3, s9;
	s6 =	sadd.s32 @!p0 $0x88, s6;
	s7 =	simm.s32 @p2 $0x1082  }
0x22: {  	[simem:s7], [sflag:s8] =	dma.local @!p0 [hbm:s6], $0xF7A  }
0x23: {  	s9 =	sor.u32 $0xD0000000, s2;
	s6 =	simm.s32 $0x108;
	_ =	swait.ge @!p0 [sflag:s8], $0x0  }
0x24: {  	s3 =	sadd.s32 $0x88, s3;
	s6 =	simm.s32 @!p1 $0x1082;
	[sflag:s4] =	ssyncset.s32 $0xFFFFF086  }
0x25: {  	[simem:s6], [sflag:s4] =	dma.local [hbm:s3], $0xF7A  }
0x26: {  	[smem:$0x3F9D] =	sst s1;
	(tag) =	ssettag s2;
	_ =	strace s9  }
0x27: {  	s1 =	sld [smem:$0x3FAD]  }
0x28: {  	s2 =	sld [smem:$0x3FAE]  }
0x29: {  	s4 =	sld [smem:$0x3FB0]  }
0x2a: {  	p0 =	seq.s32 s5, $0x0;
	s5 =	sld [smem:$0x3FB1]  }
0x2b: {  	s6 =	sld [smem:$0x3FB2]  }
0x2c: {  	s7 =	sld [smem:$0x3FB3]  }
0x2d: {  	s3 =	simm.s32 $0x108;
	s8 =	sld [smem:$0x3FB4]  }
0x2e: {  	s3 =	simm.s32 @!p0 $0x1082;
	s9 =	sld [smem:$0x3FB5]  }
0x2f: {  	lr =	sadd.s32 s0, s3;
	s0 =	sld [smem:$0x3FAC]  }
0x30: {  	s3 =	sld [smem:$0x3FAF]  }
0x31: {  	[smem:$0x3FB8] =	sst s10  }
0x32: {  	s10 =	sld [smem:$0x3FB6];
	_ =	sdelay $0x3  }
0x33: {  	p0 =	seq.s32 s10, $0x1;
	s10 =	sld [smem:$0x3FB8];
	_ =	sdelay $0x3  }
0x34: {  	[smem:$0x3FB8] =	sst s10  }
0x35: {  	s10 =	sld [smem:$0x3FB7];
	_ =	sdelay $0x3  }
0x36: {  	p1 =	seq.s32 s10, $0x1;
	s10 =	sld [smem:$0x3FB8];
	_ =	sdelay $0x3  }
0x37: {  	[smem:$0x3FB8] =	sst s10  }
0x38: {  	s10 =	sld [smem:$0x3FB9]  }
0x39: {  	_ = 	snop;
	(pc) =	sbr.ind lr, $3  }
0x3a: {  	_ = 	snop  }
0x3b: {  	_ = 	snop  }
0x3c: {  	p2 =	seq.s32 s10, $0x1;
	s10 =	sld [smem:$0x3FB8]  }
0x3d: {  	_ =	shalt  }
0x3e: {  	_ =	shalt  }
0x3f: {  	_ =	shalt  }
0x40: {  	_ =	shalt  }
0x41: {  	_ =	shalt  }
0x42: {  	_ =	shalt  }
0x43: {  	_ =	shalt  }
0x44: {  	_ =	shalt  }
0x45: {  	_ =	shalt  }
0x46: {  	_ =	shalt  }
0x47: {  	_ =	shalt  }
0x48: {  	_ =	shalt  }
0x49: {  	_ =	shalt  }
0x4a: {  	_ =	shalt  }
0x4b: {  	_ =	shalt  }
0x4c: {  	_ =	shalt  }
0x4d: {  	_ =	shalt  }
0x4e: {  	_ =	shalt  }
0x4f: {  	_ =	shalt  }
0x50: {  	_ =	shalt  }
0x51: {  	_ =	shalt  }
0x52: {  	_ =	shalt  }
0x53: {  	_ =	shalt  }
0x54: {  	_ =	shalt  }
0x55: {  	_ =	shalt  }
0x56: {  	_ =	shalt  }
0x57: {  	_ =	shalt  }
0x58: {  	_ =	shalt  }
0x59: {  	_ =	shalt  }
0x5a: {  	_ =	shalt  }
0x5b: {  	_ =	shalt  }
0x5c: {  	_ =	shalt  }
0x5d: {  	_ =	shalt  }
0x5e: {  	_ =	shalt  }
0x5f: {  	_ =	shalt  }
0x60: {  	_ =	shalt  }
0x61: {  	_ =	shalt  }
0x62: {  	_ =	shalt  }
0x63: {  	_ =	shalt  }
0x64: {  	_ =	shalt  }
0x65: {  	_ =	shalt  }
0x66: {  	_ =	shalt  }
0x67: {  	_ =	shalt  }
0x68: {  	_ =	shalt  }
0x69: {  	_ =	shalt  }
0x6a: {  	_ =	shalt  }
0x6b: {  	_ =	shalt  }
0x6c: {  	_ =	shalt  }
0x6d: {  	_ =	shalt  }
0x6e: {  	_ =	shalt  }
0x6f: {  	_ =	shalt  }
0x70: {  	_ =	shalt  }
0x71: {  	_ =	shalt  }
0x72: {  	_ =	shalt  }
0x73: {  	_ =	shalt  }
0x74: {  	_ =	shalt  }
0x75: {  	_ =	shalt  }
0x76: {  	_ =	shalt  }
0x77: {  	_ =	shalt  }
0x78: {  	_ =	shalt  }
0x79: {  	_ =	shalt  }
0x7a: {  	_ =	shalt  }
0x7b: {  	_ =	shalt  }
0x7c: {  	_ =	shalt  }
0x7d: {  	_ =	shalt  }
0x7e: {  	_ =	shalt  }
0x7f: {  	_ =	shalt  }
0x80: {  	_ =	shalt  }
0x81: {  	_ =	shalt  }
0x82: {  	_ =	shalt  }
0x83: {  	_ =	shalt  }
0x84: {  	_ =	shalt  }
0x85: {  	_ =	shalt  }
0x86: {  	_ =	shalt  }
0x87: {  	_ =	shalt  }
.Lfunc_end0:
.L_simem_size_0:
called_computation_lowered:
.L_overlay_start_0:
0x88: {  	s2 =	sld [smem:$0x3FD9]  }
0x89: {  	s3 =	sld [smem:$0x3FFE];
	_ =	sdelay $0x1  }
0x8a: {  	s1 =	srdreg.scid  }
0x8b: {  	s0 =	sand.u32 $0x1, s1  }
0x8c: {  	s14 =	sshll.u32 s0, $0xA;
	s2 =	sadd.s32 s3, s2  }
0x8d: {  	s2 =	sadd.s32 s2, s14  }
0x8e: {  	[smem:$0x3FC4] =	sst s2  }
0x8f: {  	_ = 	snop  }
0x90: {  	s2 =	sld [smem:$0x3FD0];
	_ =	sdelay $0x2  }
0x91: {  	s15 =	simm.s32 $0xA;
	s4 =	simm.s32 $0x10  }
0x92: {  	[smem:s4], [sflag:s15] =	dma.local [hbm:s2], $0x1  }
0x93: {  	_ =	swait.eq [sflag:s15], $0x1  }
0x94: {  	[sflag:s15] =	ssyncset.done $0x0  }
0x95: {  	s16 =	sld [smem:$0x10];
	[sflag:s15] =	ssyncadd.s32 $0xFFFFFFFF  }
0x96: {  	s17 =	sld [smem:$0x11];
	(tm) =	ssettm $0x1  }
0x97: {  	s18 =	sld [smem:$0x3FFB];
	_ =	sdelay $0x3  }
0x98: {  	_ =	strace s18  }
0x99: {  	s4 =	sld [smem:$0x3FFC];
	_ =	sdelay $0x3  }
0x9a: {  	_ =	strace s4  }
0x9b: {  	s4 =	sld [smem:$0x3FFD];
	_ =	sdelay $0x3  }
0x9c: {  	_ =	strace s4  }
0x9d: {  	_ =	strace $0x8FFFFFFF  }
0x9e: {  	s19 =	sld [smem:$0x3FDB];
	_ =	sdelay $0x1  }
0x9f: {  	s5 =	simm.s32 $_scs_section_size  }
0xa0: {  	s6 =	simm.s32 $_size__tile_overlayer_lowered;
	s7 =	simm.s32 $_tile_overlayer_lowered  }
0xa1: {  	s22 =	simm.s32 $0x1BFF;
	s21 =	sshll.u32 s7, $0x1;
	s4 =	sadd.s32 s5, s19  }
0xa2: {  	s8 =	simm.s32 $0x0;
	s20 =	sshll.u32 s6, $0x1;
	s6 =	sadd.s32 s21, s4  }
0xa3: {  	[timem:s8], [sflag:s22] =	dma.local [hbm:s6], s20  }
0xa4: {  	_ =	swait.ge [sflag:s22], s20  }
0xa5: {  	s5 =	ssub.s32 $0x0, s20;
	[sflag:s22] =	ssyncset.done $0x0  }
0xa6: {  	[sflag:s22] =	ssyncadd.s32 s5;
	_ =	sdelay $0x1  }
0xa7: {  	s23 =	simm.s32 $0x1B8B  }
0xa8: {  	_ =	swait.ge [sflag:s23], $0x1  }
0xa9: {  	[sflag:s23] =	ssyncset.done $0x0  }
0xaa: {  	s25 =	simm.s32 $0x1B8E;
	s24 =	sld [smem:$0x3FFE];
	[sflag:s23] =	ssyncadd.s32 $0xFFFFFFFF  }
0xab: {  	s26 =	simm.s32 $execute0_lowered;
	[smem:$0x3FD2] =	sst s25  }
0xac: {  	s6 =	sshll.u32 s26, $0x1;
	_ =	strace $0x80000046;
	[dreg:$0x1] =	wrdreg $0xFFFFFFFF  }
0xad: {  	s28 =	simm.s32 $_size_execute0_lowered;
	s4 =	sadd.s32 s4, s6;
	[dreg:$0x0] =	wrdreg $0x0  }
0xae: {  	s6 =	sshll.u32 s28, $0x1;
	[dreg:$0x2] =	wrdreg s4  }
0xaf: {  	[dreg:$0x3] =	wrdreg s6  }
0xb0: {  	[dreg:$0x4] =	wrdreg $0xC0  }
0xb1: {  	_ =	task [dreg:s8], $0x5FFFF  }
0xb2: {  	[dreg:$0x1] =	wrdreg $0xFFFFFFFF  }
0xb3: {  	[dreg:$0x0] =	wrdreg $0x60  }
0xb4: {  	[dreg:$0x2] =	wrdreg s16  }
0xb5: {  	[dreg:$0x3] =	wrdreg s24  }
0xb6: {  	[dreg:$0x4] =	wrdreg s17  }
0xb7: {  	[dreg:$0x5] =	wrdreg $0x9  }
0xb8: {  	_ =	task.clear_ibuf [dreg:s8], $0x6FFFF;
	_ =	strace $0x90000046  }
0xb9: {  	s29 =	simm.s32 $0x9;
	_ =	strace $0x80000048  }
0xba: {  	_ =	swait.ge [sflag:s29], $0x1  }
0xbb: {  	[sflag:s29] =	ssyncadd.s32 $0xFFFFFFFF  }
0xbc: {  	_ =	strace $0x90000048  }
0xbd: {  	_ =	sfence  }
0xbe: {  	s30 =	sld [smem:$0x0];
	_ =	sdelay $0x2  }
0xbf: {  	s31 =	sshll.u32 s1, $0xD;
	s1 =	sshrl.u32 s1, $0x2  }
0xc0: {  	s3 =	sand.u32 $0x4000, s31;
	s1 =	sadd.s32 s1, s30  }
0xc1: {  	s0 =	sor.u32 s3, s0;
	s1 =	sshll.u32 s1, $0x11  }
0xc2: {  	s0 =	sor.u32 s1, s0  }
0xc3: {  	s0 =	sadd.s32 $0x8F2B, s0  }
0xc4: {  	[sflag:s0] =	ssyncadd.remote.s32 $0x1  }
0xc5: {  	_ =	sfence.sel $0xFFFF  }
0xc6: {  	[dreg:$0x0] =	wrdreg $0xFFFFFFFF;
	(pc) =	sbr.abs _section_cstart, $3  }
0xc7: {  	[dreg:$0x1] =	wrdreg $0xFFFFFFFF  }
0xc8: {  	_ =	task.clear_ibuf [dreg:s8], $0x2FFFF;
	_ =	strace $0x9FFFFFFF  }
0xc9: {  	(tm) =	ssettm $0x7FFFFFFF  }
tec
execute0_lowered:
.L_overlay_start_1:
0x0: {  	(tag) =	ssettag $0x1  }
0x1: {  	s0 =	rddreg [dreg:$0x0]  }
0x2: {  	s1 =	rddreg [dreg:$0x1];
	s3 =	srdreg.scid  }
0x3: {  	s4 =	stileid.u32;
	s2 =	rddreg [dreg:$0x2]  }
0x4: {  	s17 =	simm.s32 $0x2;
	s18 =	simm.s32 $0x3;
	s19 =	simm.s32 $0x4  }
0x5: {  	s20 =	simm.s32 $0x5;
	s21 =	simm.s32 $0x6;
	s5 =	sand.u32 $0x1, s3  }
0x6: {  	s23 =	sshll.u32 s4, $0x1;
	s3 =	simm.s32 $0x0;
	s4 =	sshll.u32 s4, $0x7  }
0x7: {  	s9 =	sadd.s32 $0xF43600, s1;
	s6 =	sor.u32 s5, s23;
	[smem:$0x7FF] =	sst s3  }
0x8: {  	s5 =	ssub.s32 $0x2, s5;
	s7 =	sshll.u32 s6, $0x4;
	_ =	strace $0x80000047  }
0x9: {  	s10 =	sshrl.u32 s5, $0x1;
	s24 =	sshll.u32 s6, $0xD;
	s4 =	sor.u32 s4, s7  }
0xa: {  	s5 =	ssub.s32 s5, s10;
	s26 =	sadd.s32 s9, s24;
	s28 =	sor.u32 $0x1000, s24  }
0xb: {  	s7 =	sand.u32 $0x670, s4;
	[dreg:$0x6] =	wrdreg s26;
	s29 =	sadd.s32 s9, s28  }
0xc: {  	s4 =	sadd.s32 $0x1200, s1;
	s31 =	smax.u32 s5, $0x1;
	[dreg:$0x8] =	wrdreg s29  }
0xd: {  	s8 =	sadd.s32 s7, s1;
	s0 =	sadd.s32 s0, s7;
	[dreg:$0xa] =	wrdreg s31  }
0xe: {  	s1 =	sadd.s32 $0xF83600, s1;
	[dreg:$0x4] =	wrdreg s0;
	s25 =	sadd.s32 $0xA00, s8  }
0xf: {  	s22 =	simm.s32 $0x7;
	s0 =	sadd.s32 s1, s24;
	[dreg:$0x5] =	wrdreg s25  }
0x10: {  	s23 =	simm.s32 $0x8;
	s30 =	sadd.s32 s1, s28;
	[dreg:$0x7] =	wrdreg s0  }
0x11: {  	s6 =	simm.s32 $0x9;
	s1 =	simm.s32 $0x0;
	[dreg:$0x9] =	wrdreg s30  }
.LBB2_1:
0x12: {  	[dreg:$0xb] =	wrdreg s1  }
0x13: {  	s0 =	rddreg [dreg:$0x4];
	s26 =	simm.s32 $0x80;
	s5 =	simm.s32 $0x400  }
0x14: {  	[tilespmem:s3], [sflag:$0x9] =	stream.strided.gather [hbm4b:s0+s26], $0x200, s5, s26, $0x38;
	[tilespmem:$0x10400] =	vst v63  }
0x15: {  	_ =	swait.ge [sflag:s6], $0x200  }
0x16: {  	[sflag:s6] =	ssyncset.done $0x0  }
0x17: {  	s7 =	simm.s32 $0x200;
	s31 =	rddreg [dreg:$0x5];
	[sflag:s6] =	ssyncadd.s32 $0xFFFFFE00  }
0x18: {  	[tilespmem:s7], [sflag:$0x9] =	stream.strided.gather [hbm4b:s31+s26], $0x200, s5, s26, $0x38;
	[tilespmem:$0x10400] =	vst v63  }
0x19: {  	_ =	swait.ge [sflag:s6], $0x200  }
0x1a: {  	[sflag:s6] =	ssyncset.done $0x0  }
0x1b: {  	[sflag:s6] =	ssyncadd.s32 $0xFFFFFE00  }
0x1c: {  	v0 =	vld [tilespmem:s3+$0x0];
	_ =	sdelay $0x4  }
0x1d: {  	v0 =	vshll.u32 v0, $0x4  }
0x1e: {  	(v2sf) =	vpush v0, $0x0  }
0x1f: {  	(v2sf) =	vpush v0, $0x1  }
0x20: {  	(v2sf) =	vpush v0, $0x2;
	_ =	sdelay $0x1  }
0x21: {  	(v2sf) =	vpush v0, $0x4;
	_ =	sdelay $0x1  }
0x22: {  	(v2sf) =	vpush v0, $0x3  }
0x23: {  	(v2sf) =	vpush v0, $0x5  }
0x24: {  	s29 =	simm.s32 $0x2000;
	s28 =	simm.s32 $0x0;
	s30 =	simm.s32 $0x0;
	(v2sf) =	vpush v0, $0x6  }
.LBB2_2:
0x25: {  	p0 =	sne.s32 s29, $0x1E000  }
0x26: {  	s8 =	sadd.s32 $0x480, s28;
	s15 =	sadd.s32 $0x980, s28;
	s31 =	smov.u32 s29  }
0x27: {  	s29 =	sadd.s32 $0x2000, s29;
	s24 =	sadd.s32 $0x780, s28;
	s1 =	sadd.s32 $0xA00, s28;
	(v2sf) =	vpush v0, $0x7  }
0x28: {  	s7 =	sadd.s32 $0x680, s28;
	s5 =	sadd.s32 $0x800, s28;
	s0 =	sadd.s32 $0xA80, s28  }
0x29: {  	s9 =	sadd.s32 $0x400, s28;
	s10 =	sadd.s32 $0x600, s28;
	(v2sf) =	vpush v0, $0x8  }
0x2a: {  	s26 =	simm.s32 $0x0;
	s11 =	sadd.s32 $0x700, s28;
	s30 =	sadd.s32 $0x10, s30  }
0x2b: {  	s13 =	sadd.s32 $0x500, s28;
	s12 =	sadd.s32 $0x900, s28;
	s6 =	spop (v2sf);
	(v2sf) =	vpush v0, $0x9  }
0x2c: {  	s25 =	sand.u32 $0x1FFFFFF0, s6;
	s6 =	sadd.s32 $0x880, s28;
	s14 =	spop (v2sf)  }
0x2d: {  	s25 =	sadd.s32 s4, s25;
	s14 =	sand.u32 $0x1FFFFFF0, s14;
	s16 =	spop (v2sf);
	(v2sf) =	vpush v0, $0xA  }
0x2e: {  	[tilespmem:s9], [sflag:$0x1] =	stream.linear.gather [hbm4b:s25+s26], $0x80, $0x38;
	[tilespmem:$0x10400] =	vst v63  }
0x2f: {  	s9 =	sadd.s32 s4, s14;
	s14 =	sadd.s32 $0x580, s28;
	s25 =	spop (v2sf);
	(v2sf) =	vpush v0, $0xB  }
0x30: {  	[tilespmem:s8], [sflag:$0x2] =	stream.linear.gather [hbm4b:s9+s26], $0x80, $0x38;
	[tilespmem:$0x10400] =	vst v63  }
0x31: {  	s8 =	sand.u32 $0x1FFFFFF0, s16;
	s9 =	sand.u32 $0x1FFFFFF0, s25;
	s16 =	spop (v2sf);
	(v2sf) =	vpush v0, $0xC  }
0x32: {  	s8 =	sadd.s32 s4, s8;
	s16 =	sand.u32 $0x1FFFFFF0, s16;
	s25 =	spop (v2sf)  }
0x33: {  	[tilespmem:s13], [sflag:$0x3] =	stream.linear.gather [hbm4b:s8+s26], $0x80, $0x38;
	(v2sf) =	vpush v0, $0xD;
	[tilespmem:$0x10400] =	vst v63  }
0x34: {  	s8 =	sadd.s32 s4, s16;
	s13 =	sand.u32 $0x1FFFFFF0, s25;
	s16 =	spop (v2sf)  }
0x35: {  	[tilespmem:s14], [sflag:$0x4] =	stream.linear.gather [hbm4b:s8+s26], $0x80, $0x38;
	(v2sf) =	vpush v0, $0xE;
	[tilespmem:$0x10400] =	vst v63  }
0x36: {  	s8 =	sadd.s32 s4, s9;
	s9 =	sand.u32 $0x1FFFFFF0, s16;
	s14 =	spop (v2sf)  }
0x37: {  	[tilespmem:s10], [sflag:$0x1] =	stream.linear.gather [hbm4b:s8+s26], $0x80, $0x38;
	(v2sf) =	vpush v0, $0xF;
	[tilespmem:$0x10400] =	vst v63  }
0x38: {  	s8 =	sadd.s32 s4, s13;
	s10 =	sand.u32 $0x1FFFFFF0, s14;
	s13 =	spop (v2sf)  }
0x39: {  	[tilespmem:s7], [sflag:$0x2] =	stream.linear.gather [hbm4b:s8+s26], $0x80, $0x38;
	[tilespmem:$0x10400] =	vst v63  }
0x3a: {  	s7 =	sadd.s32 s4, s9;
	s8 =	sand.u32 $0x1FFFFFF0, s13;
	s9 =	spop (v2sf)  }
0x3b: {  	[tilespmem:s11], [sflag:$0x3] =	stream.linear.gather [hbm4b:s7+s26], $0x80, $0x38;
	[tilespmem:$0x10400] =	vst v63  }
0x3c: {  	s7 =	sadd.s32 s4, s10;
	s9 =	sand.u32 $0x1FFFFFF0, s9;
	s10 =	spop (v2sf)  }
0x3d: {  	[tilespmem:s24], [sflag:$0x4] =	stream.linear.gather [hbm4b:s7+s26], $0x80, $0x38;
	[tilespmem:$0x10400] =	vst v63  }
0x3e: {  	s7 =	sadd.s32 s4, s8;
	s8 =	sand.u32 $0x1FFFFFF0, s10;
	s10 =	spop (v2sf)  }
0x3f: {  	[tilespmem:s5], [sflag:$0x1] =	stream.linear.gather [hbm4b:s7+s26], $0x80, $0x38;
	[tilespmem:$0x10400] =	vst v63  }
0x40: {  	s5 =	sadd.s32 s4, s9;
	s7 =	sand.u32 $0x1FFFFFF0, s10;
	s9 =	spop (v2sf)  }
0x41: {  	[tilespmem:s6], [sflag:$0x2] =	stream.linear.gather [hbm4b:s5+s26], $0x80, $0x38;
	[tilespmem:$0x10400] =	vst v63  }
0x42: {  	s5 =	sadd.s32 s4, s8;
	s6 =	sand.u32 $0x1FFFFFF0, s9;
	s8 =	spop (v2sf)  }
0x43: {  	[tilespmem:s12], [sflag:$0x3] =	stream.linear.gather [hbm4b:s5+s26], $0x80, $0x38;
	[tilespmem:$0x10400] =	vst v63  }
0x44: {  	s5 =	sadd.s32 s4, s7;
	s7 =	sand.u32 $0x1FFFFFF0, s8;
	s8 =	spop (v2sf)  }
0x45: {  	[tilespmem:s15], [sflag:$0x4] =	stream.linear.gather [hbm4b:s5+s26], $0x80, $0x38;
	[tilespmem:$0x10400] =	vst v63  }
0x46: {  	s5 =	sadd.s32 s4, s6;
	s6 =	sand.u32 $0x1FFFFFF0, s8;
	s8 =	spop (v2sf)  }
0x47: {  	[tilespmem:s1], [sflag:$0x1] =	stream.linear.gather [hbm4b:s5+s26], $0x80, $0x38;
	[tilespmem:$0x10400] =	vst v63  }
0x48: {  	s1 =	sadd.s32 s4, s7;
	s5 =	sand.u32 $0x1FFFFFF0, s8  }
0x49: {  	[tilespmem:s0], [sflag:$0x2] =	stream.linear.gather [hbm4b:s1+s26], $0x80, $0x38;
	[tilespmem:$0x10400] =	vst v63  }
0x4a: {  	s0 =	sadd.s32 $0xB00, s28;
	s1 =	sadd.s32 s4, s6  }
0x4b: {  	[tilespmem:s0], [sflag:$0x3] =	stream.linear.gather [hbm4b:s1+s26], $0x80, $0x38;
	[tilespmem:$0x10400] =	vst v63  }
0x4c: {  	s0 =	sadd.s32 $0xB80, s28;
	s1 =	sadd.s32 s4, s5  }
0x4d: {  	[tilespmem:s0], [sflag:$0x4] =	stream.linear.gather [hbm4b:s1+s26], $0x80, $0x38;
	[tilespmem:$0x10400] =	vst v63  }
0x4e: {  	v0 =	vld [tilespmem:s30+$0x0];
	_ =	sdelay $0x4  }
0x4f: {  	v0 =	vshll.u32 v0, $0x4  }
0x50: {  	(v2sf) =	vpush v0, $0x0  }
0x51: {  	(v2sf) =	vpush v0, $0x1  }
0x52: {  	(v2sf) =	vpush v0, $0x2;
	_ =	sdelay $0x1  }
0x53: {  	(v2sf) =	vpush v0, $0x4  }
.Ltmp0:
0x54: {  	(pc) =	sbr.rel @p0 .LBB2_2-.Ltmp0, $3  }
0x55: {  	(v2sf) =	vpush v0, $0x3  }
0x56: {  	(v2sf) =	vpush v0, $0x5;
	_ =	sdelay $0x1  }
0x57: {  	s28 =	sshra.s32 s31, $0x2;
	(v2sf) =	vpush v0, $0x6  }
0x58: {  	_ =	sdelay $0x1  }
0x59: {  	s6 =	sadd.s32 $0x480, s28;
	s5 =	sadd.s32 $0x980, s28  }
0x5a: {  	s7 =	sadd.s32 $0x780, s28;
	s0 =	sadd.s32 $0xA00, s28;
	(v2sf) =	vpush v0, $0x7;
	s8 =	sadd.s32 $0x680, s28  }
0x5b: {  	s9 =	sadd.s32 $0x800, s28;
	s1 =	sadd.s32 $0xA80, s28;
	s10 =	sadd.s32 $0x400, s28  }
0x5c: {  	s11 =	sadd.s32 $0x600, s28;
	s12 =	sadd.s32 $0x700, s28;
	(v2sf) =	vpush v0, $0x8;
	s13 =	spop (v2sf)  }
0x5d: {  	s14 =	sadd.s32 $0x500, s28;
	s13 =	sand.u32 $0x1FFFFFF0, s13;
	s15 =	spop (v2sf)  }
0x5e: {  	(v2sf) =	vpush v0, $0x9;
	s13 =	sadd.s32 s4, s13;
	s15 =	sand.u32 $0x1FFFFFF0, s15;
	s16 =	spop (v2sf)  }
0x5f: {  	[tilespmem:s10], [sflag:$0x1] =	stream.linear.gather [hbm4b:s13+s26], $0x80, $0x38;
	[tilespmem:$0x10400] =	vst v63  }
0x60: {  	s24 =	sadd.s32 $0x580, s28;
	(v2sf) =	vpush v0, $0xA;
	s30 =	sadd.s32 s4, s15;
	s31 =	spop (v2sf)  }
0x61: {  	[tilespmem:s6], [sflag:$0x2] =	stream.linear.gather [hbm4b:s30+s26], $0x80, $0x38;
	[tilespmem:$0x10400] =	vst v63  }
0x62: {  	s10 =	sadd.s32 $0x900, s28;
	s16 =	sand.u32 $0x1FFFFFF0, s16;
	(v2sf) =	vpush v0, $0xB;
	s25 =	spop (v2sf)  }
0x63: {  	s13 =	sadd.s32 s4, s16;
	s6 =	sadd.s32 $0x880, s28;
	s16 =	sand.u32 $0x1FFFFFF0, s25  }
0x64: {  	(v2sf) =	vpush v0, $0xC;
	[tilespmem:s14], [sflag:$0x3] =	stream.linear.gather [hbm4b:s13+s26], $0x80, $0x38;
	[tilespmem:$0x10400] =	vst v63  }
0x65: {  	s30 =	sand.u32 $0x1FFFFFF0, s31;
	s31 =	spop (v2sf);
	s16 =	sadd.s32 s4, s16  }
0x66: {  	(v2sf) =	vpush v0, $0xD;
	[tilespmem:s24], [sflag:$0x4] =	stream.linear.gather [hbm4b:s16+s26], $0x80, $0x38;
	[tilespmem:$0x10400] =	vst v63  }
0x67: {  	s13 =	sadd.s32 s4, s30;
	s14 =	sand.u32 $0x1FFFFFF0, s31;
	s25 =	spop (v2sf)  }
0x68: {  	(v2sf) =	vpush v0, $0xE;
	[tilespmem:s11], [sflag:$0x1] =	stream.linear.gather [hbm4b:s13+s26], $0x80, $0x38;
	[tilespmem:$0x10400] =	vst v63  }
0x69: {  	s14 =	sadd.s32 s4, s14;
	s30 =	sand.u32 $0x1FFFFFF0, s25;
	s31 =	spop (v2sf)  }
0x6a: {  	(v2sf) =	vpush v0, $0xF;
	[tilespmem:s8], [sflag:$0x2] =	stream.linear.gather [hbm4b:s14+s26], $0x80, $0x38;
	[tilespmem:$0x10400] =	vst v63  }
0x6b: {  	s15 =	spop (v2sf);
	s11 =	sadd.s32 s4, s30;
	s14 =	sand.u32 $0x1FFFFFF0, s31  }
0x6c: {  	[tilespmem:s12], [sflag:$0x3] =	stream.linear.gather [hbm4b:s11+s26], $0x80, $0x38;
	[tilespmem:$0x10400] =	vst v63  }
0x6d: {  	s16 =	sand.u32 $0x1FFFFFF0, s15;
	s8 =	sadd.s32 s4, s14;
	s24 =	spop (v2sf)  }
0x6e: {  	[tilespmem:s7], [sflag:$0x4] =	stream.linear.gather [hbm4b:s8+s26], $0x80, $0x38;
	[tilespmem:$0x10400] =	vst v63  }
0x6f: {  	s11 =	sadd.s32 s4, s16;
	s25 =	sand.u32 $0x1FFFFFF0, s24;
	s30 =	spop (v2sf)  }
0x70: {  	[tilespmem:s9], [sflag:$0x1] =	stream.linear.gather [hbm4b:s11+s26], $0x80, $0x38;
	[tilespmem:$0x10400] =	vst v63  }
0x71: {  	s8 =	sand.u32 $0x1FFFFFF0, s30;
	s7 =	sadd.s32 s4, s25;
	s31 =	spop (v2sf)  }
0x72: {  	[tilespmem:s6], [sflag:$0x2] =	stream.linear.gather [hbm4b:s7+s26], $0x80, $0x38;
	[tilespmem:$0x10400] =	vst v63  }
0x73: {  	s8 =	sadd.s32 s4, s8;
	s11 =	sand.u32 $0x1FFFFFF0, s31;
	s12 =	spop (v2sf)  }
0x74: {  	[tilespmem:s10], [sflag:$0x3] =	stream.linear.gather [hbm4b:s8+s26], $0x80, $0x38;
	[tilespmem:$0x10400] =	vst v63  }
0x75: {  	s6 =	sadd.s32 s4, s11;
	s7 =	sand.u32 $0x1FFFFFF0, s12;
	s13 =	spop (v2sf)  }
0x76: {  	[tilespmem:s5], [sflag:$0x4] =	stream.linear.gather [hbm4b:s6+s26], $0x80, $0x38;
	[tilespmem:$0x10400] =	vst v63  }
0x77: {  	s14 =	sand.u32 $0x1FFFFFF0, s13;
	s7 =	sadd.s32 s4, s7;
	s15 =	spop (v2sf)  }
0x78: {  	[tilespmem:s0], [sflag:$0x1] =	stream.linear.gather [hbm4b:s7+s26], $0x80, $0x38;
	[tilespmem:$0x10400] =	vst v63  }
0x79: {  	s16 =	sand.u32 $0x1FFFFFF0, s15;
	s24 =	spop (v2sf);
	s5 =	sadd.s32 s4, s14  }
0x7a: {  	[tilespmem:s1], [sflag:$0x2] =	stream.linear.gather [hbm4b:s5+s26], $0x80, $0x38;
	[tilespmem:$0x10400] =	vst v63  }
0x7b: {  	s30 =	sadd.s32 $0xB00, s28;
	s25 =	sand.u32 $0x1FFFFFF0, s24;
	s0 =	sadd.s32 s4, s16  }
0x7c: {  	[tilespmem:s30], [sflag:$0x3] =	stream.linear.gather [hbm4b:s0+s26], $0x80, $0x38;
	[tilespmem:$0x10400] =	vst v63  }
0x7d: {  	s31 =	sadd.s32 $0xB80, s28;
	s28 =	simm.s32 $0x200;
	s1 =	sadd.s32 s4, s25  }
0x7e: {  	[tilespmem:s31], [sflag:$0x4] =	stream.linear.gather [hbm4b:s1+s26], $0x80, $0x38;
	[tilespmem:$0x10400] =	vst v63  }
0x7f: {  	v0 =	vld [tilespmem:s28+$0x0];
	_ =	sdelay $0x4  }
0x80: {  	v0 =	vshll.u32 v0, $0x4  }
0x81: {  	(v2sf) =	vpush v0, $0x0  }
0x82: {  	(v2sf) =	vpush v0, $0x1  }
0x83: {  	(v2sf) =	vpush v0, $0x2;
	_ =	sdelay $0x1  }
0x84: {  	(v2sf) =	vpush v0, $0x4;
	_ =	sdelay $0x1  }
0x85: {  	(v2sf) =	vpush v0, $0x3  }
0x86: {  	(v2sf) =	vpush v0, $0x5  }
0x87: {  	s29 =	simm.s32 $0x2000;
	s26 =	simm.s32 $0x0;
	(v2sf) =	vpush v0, $0x6  }
.LBB2_4:
0x88: {  	p0 =	sne.s32 s29, $0x1E000  }
0x89: {  	s8 =	sadd.s32 $0x8480, s26;
	s15 =	sadd.s32 $0x8980, s26;
	s30 =	smov.u32 s29  }
0x8a: {  	s29 =	sadd.s32 $0x2000, s29;
	s24 =	sadd.s32 $0x8780, s26;
	s0 =	sadd.s32 $0x8A00, s26;
	(v2sf) =	vpush v0, $0x7  }
0x8b: {  	s7 =	sadd.s32 $0x8680, s26;
	s12 =	sadd.s32 $0x8800, s26;
	s1 =	sadd.s32 $0x8A80, s26  }
0x8c: {  	s9 =	sadd.s32 $0x8400, s26;
	s10 =	sadd.s32 $0x8600, s26;
	(v2sf) =	vpush v0, $0x8  }
0x8d: {  	s11 =	sadd.s32 $0x8700, s26;
	s28 =	sadd.s32 $0x10, s28  }
0x8e: {  	s13 =	sadd.s32 $0x8500, s26;
	s5 =	sadd.s32 $0x8900, s26;
	s6 =	spop (v2sf);
	(v2sf) =	vpush v0, $0x9  }
0x8f: {  	s14 =	sand.u32 $0x1FFFFFF0, s6;
	s6 =	sadd.s32 $0x8880, s26;
	s16 =	spop (v2sf)  }
0x90: {  	s14 =	sadd.s32 s2, s14;
	s16 =	sand.u32 $0x1FFFFFF0, s16;
	s25 =	spop (v2sf);
	(v2sf) =	vpush v0, $0xA  }
0x91: {  	[tilespmem:s9], [sflag:$0x5] =	stream.linear.gather [hbm4b:s14+s3], $0x80, $0x38;
	[tilespmem:$0x10400] =	vst v63  }
0x92: {  	s9 =	sadd.s32 s2, s16;
	s14 =	sadd.s32 $0x8580, s26;
	s16 =	spop (v2sf);
	(v2sf) =	vpush v0, $0xB  }
0x93: {  	[tilespmem:s8], [sflag:$0x6] =	stream.linear.gather [hbm4b:s9+s3], $0x80, $0x38;
	[tilespmem:$0x10400] =	vst v63  }
0x94: {  	s8 =	sand.u32 $0x1FFFFFF0, s25;
	s9 =	sand.u32 $0x1FFFFFF0, s16;
	s16 =	spop (v2sf);
	(v2sf) =	vpush v0, $0xC  }
0x95: {  	s8 =	sadd.s32 s2, s8;
	s16 =	sand.u32 $0x1FFFFFF0, s16;
	s25 =	spop (v2sf)  }
0x96: {  	[tilespmem:s13], [sflag:$0x7] =	stream.linear.gather [hbm4b:s8+s3], $0x80, $0x38;
	(v2sf) =	vpush v0, $0xD;
	[tilespmem:$0x10400] =	vst v63  }
0x97: {  	s8 =	sadd.s32 s2, s16;
	s13 =	sand.u32 $0x1FFFFFF0, s25;
	s16 =	spop (v2sf)  }
0x98: {  	[tilespmem:s14], [sflag:$0x8] =	stream.linear.gather [hbm4b:s8+s3], $0x80, $0x38;
	(v2sf) =	vpush v0, $0xE;
	[tilespmem:$0x10400] =	vst v63  }
0x99: {  	s8 =	sadd.s32 s2, s9;
	s9 =	sand.u32 $0x1FFFFFF0, s16;
	s14 =	spop (v2sf)  }
0x9a: {  	[tilespmem:s10], [sflag:$0x5] =	stream.linear.gather [hbm4b:s8+s3], $0x80, $0x38;
	(v2sf) =	vpush v0, $0xF;
	[tilespmem:$0x10400] =	vst v63  }
0x9b: {  	s8 =	sadd.s32 s2, s13;
	s10 =	sand.u32 $0x1FFFFFF0, s14;
	s13 =	spop (v2sf)  }
0x9c: {  	[tilespmem:s7], [sflag:$0x6] =	stream.linear.gather [hbm4b:s8+s3], $0x80, $0x38;
	[tilespmem:$0x10400] =	vst v63  }
0x9d: {  	s7 =	sadd.s32 s2, s9;
	s8 =	sand.u32 $0x1FFFFFF0, s13;
	s9 =	spop (v2sf)  }
0x9e: {  	[tilespmem:s11], [sflag:$0x7] =	stream.linear.gather [hbm4b:s7+s3], $0x80, $0x38;
	[tilespmem:$0x10400] =	vst v63  }
0x9f: {  	s7 =	sadd.s32 s2, s10;
	s9 =	sand.u32 $0x1FFFFFF0, s9;
	s10 =	spop (v2sf)  }
0xa0: {  	[tilespmem:s24], [sflag:$0x8] =	stream.linear.gather [hbm4b:s7+s3], $0x80, $0x38;
	[tilespmem:$0x10400] =	vst v63  }
0xa1: {  	s7 =	sadd.s32 s2, s8;
	s8 =	sand.u32 $0x1FFFFFF0, s10;
	s10 =	spop (v2sf)  }
0xa2: {  	[tilespmem:s12], [sflag:$0x5] =	stream.linear.gather [hbm4b:s7+s3], $0x80, $0x38;
	[tilespmem:$0x10400] =	vst v63  }
0xa3: {  	s7 =	sadd.s32 s2, s9;
	s9 =	sand.u32 $0x1FFFFFF0, s10;
	s10 =	spop (v2sf)  }
0xa4: {  	[tilespmem:s6], [sflag:$0x6] =	stream.linear.gather [hbm4b:s7+s3], $0x80, $0x38;
	[tilespmem:$0x10400] =	vst v63  }
0xa5: {  	s6 =	sadd.s32 s2, s8;
	s7 =	sand.u32 $0x1FFFFFF0, s10;
	s8 =	spop (v2sf)  }
0xa6: {  	[tilespmem:s5], [sflag:$0x7] =	stream.linear.gather [hbm4b:s6+s3], $0x80, $0x38;
	[tilespmem:$0x10400] =	vst v63  }
0xa7: {  	s5 =	sadd.s32 s2, s9;
	s6 =	sand.u32 $0x1FFFFFF0, s8;
	s8 =	spop (v2sf)  }
0xa8: {  	[tilespmem:s15], [sflag:$0x8] =	stream.linear.gather [hbm4b:s5+s3], $0x80, $0x38;
	[tilespmem:$0x10400] =	vst v63  }
0xa9: {  	s5 =	sadd.s32 s2, s7;
	s7 =	sand.u32 $0x1FFFFFF0, s8;
	s8 =	spop (v2sf)  }
0xaa: {  	[tilespmem:s0], [sflag:$0x5] =	stream.linear.gather [hbm4b:s5+s3], $0x80, $0x38;
	[tilespmem:$0x10400] =	vst v63  }
0xab: {  	s0 =	sadd.s32 s2, s6;
	s5 =	sand.u32 $0x1FFFFFF0, s8  }
0xac: {  	[tilespmem:s1], [sflag:$0x6] =	stream.linear.gather [hbm4b:s0+s3], $0x80, $0x38;
	[tilespmem:$0x10400] =	vst v63  }
0xad: {  	s0 =	sadd.s32 $0x8B00, s26;
	s1 =	sadd.s32 s2, s7  }
0xae: {  	[tilespmem:s0], [sflag:$0x7] =	stream.linear.gather [hbm4b:s1+s3], $0x80, $0x38;
	[tilespmem:$0x10400] =	vst v63  }
0xaf: {  	s0 =	sadd.s32 $0x8B80, s26;
	s1 =	sadd.s32 s2, s5  }
0xb0: {  	[tilespmem:s0], [sflag:$0x8] =	stream.linear.gather [hbm4b:s1+s3], $0x80, $0x38;
	[tilespmem:$0x10400] =	vst v63  }
0xb1: {  	v0 =	vld [tilespmem:s28+$0x0];
	_ =	sdelay $0x4  }
0xb2: {  	v0 =	vshll.u32 v0, $0x4  }
0xb3: {  	(v2sf) =	vpush v0, $0x0  }
0xb4: {  	(v2sf) =	vpush v0, $0x1  }
0xb5: {  	(v2sf) =	vpush v0, $0x2;
	_ =	sdelay $0x1  }
0xb6: {  	(v2sf) =	vpush v0, $0x4  }
.Ltmp1:
0xb7: {  	(pc) =	sbr.rel @p0 .LBB2_4-.Ltmp1, $3  }
0xb8: {  	(v2sf) =	vpush v0, $0x3  }
0xb9: {  	(v2sf) =	vpush v0, $0x5;
	_ =	sdelay $0x1  }
0xba: {  	s26 =	sshra.s32 s30, $0x2;
	(v2sf) =	vpush v0, $0x6  }
0xbb: {  	_ =	sdelay $0x1  }
0xbc: {  	s6 =	sadd.s32 $0x8480, s26;
	s5 =	sadd.s32 $0x8980, s26  }
0xbd: {  	s7 =	sadd.s32 $0x8780, s26;
	s0 =	sadd.s32 $0x8A00, s26;
	(v2sf) =	vpush v0, $0x7;
	s8 =	sadd.s32 $0x8680, s26  }
0xbe: {  	s9 =	sadd.s32 $0x8800, s26;
	s1 =	sadd.s32 $0x8A80, s26;
	s10 =	sadd.s32 $0x8400, s26  }
0xbf: {  	s11 =	sadd.s32 $0x8600, s26;
	s12 =	sadd.s32 $0x8700, s26;
	(v2sf) =	vpush v0, $0x8;
	s13 =	spop (v2sf)  }
0xc0: {  	s14 =	sadd.s32 $0x8500, s26;
	s13 =	sand.u32 $0x1FFFFFF0, s13;
	s15 =	spop (v2sf)  }
0xc1: {  	(v2sf) =	vpush v0, $0x9;
	s13 =	sadd.s32 s2, s13;
	s15 =	sand.u32 $0x1FFFFFF0, s15;
	s16 =	spop (v2sf)  }
0xc2: {  	[tilespmem:s10], [sflag:$0x5] =	stream.linear.gather [hbm4b:s13+s3], $0x80, $0x38;
	[tilespmem:$0x10400] =	vst v63  }
0xc3: {  	s24 =	sadd.s32 $0x8580, s26;
	(v2sf) =	vpush v0, $0xA;
	s30 =	sadd.s32 s2, s15;
	s31 =	spop (v2sf)  }
0xc4: {  	[tilespmem:s6], [sflag:$0x6] =	stream.linear.gather [hbm4b:s30+s3], $0x80, $0x38;
	[tilespmem:$0x10400] =	vst v63  }
0xc5: {  	s10 =	sadd.s32 $0x8900, s26;
	s16 =	sand.u32 $0x1FFFFFF0, s16;
	(v2sf) =	vpush v0, $0xB;
	s25 =	spop (v2sf)  }
0xc6: {  	s13 =	sadd.s32 s2, s16;
	s6 =	sadd.s32 $0x8880, s26;
	s16 =	sand.u32 $0x1FFFFFF0, s25  }
0xc7: {  	(v2sf) =	vpush v0, $0xC;
	[tilespmem:s14], [sflag:$0x7] =	stream.linear.gather [hbm4b:s13+s3], $0x80, $0x38;
	[tilespmem:$0x10400] =	vst v63  }
0xc8: {  	s28 =	sand.u32 $0x1FFFFFF0, s31;
	s29 =	spop (v2sf);
	s30 =	sadd.s32 s2, s16  }
0xc9: {  	(v2sf) =	vpush v0, $0xD;
	[tilespmem:s24], [sflag:$0x8] =	stream.linear.gather [hbm4b:s30+s3], $0x80, $0x38;
	[tilespmem:$0x10400] =	vst v63  }
0xca: {  	s13 =	sadd.s32 s2, s28;
	s14 =	sand.u32 $0x1FFFFFF0, s29;
	s31 =	spop (v2sf)  }
0xcb: {  	(v2sf) =	vpush v0, $0xE;
	[tilespmem:s11], [sflag:$0x5] =	stream.linear.gather [hbm4b:s13+s3], $0x80, $0x38;
	[tilespmem:$0x10400] =	vst v63  }
0xcc: {  	s14 =	sadd.s32 s2, s14;
	s15 =	sand.u32 $0x1FFFFFF0, s31;
	s16 =	spop (v2sf)  }
0xcd: {  	(v2sf) =	vpush v0, $0xF;
	[tilespmem:s8], [sflag:$0x6] =	stream.linear.gather [hbm4b:s14+s3], $0x80, $0x38;
	[tilespmem:$0x10400] =	vst v63  }
0xce: {  	s24 =	sand.u32 $0x1FFFFFF0, s16;
	s25 =	spop (v2sf);
	s11 =	sadd.s32 s2, s15  }
0xcf: {  	[tilespmem:s12], [sflag:$0x7] =	stream.linear.gather [hbm4b:s11+s3], $0x80, $0x38;
	[tilespmem:$0x10400] =	vst v63  }
0xd0: {  	s28 =	sand.u32 $0x1FFFFFF0, s25;
	s8 =	sadd.s32 s2, s24;
	s29 =	spop (v2sf)  }
0xd1: {  	[tilespmem:s7], [sflag:$0x8] =	stream.linear.gather [hbm4b:s8+s3], $0x80, $0x38;
	[tilespmem:$0x10400] =	vst v63  }
0xd2: {  	s11 =	sadd.s32 s2, s28;
	s30 =	sand.u32 $0x1FFFFFF0, s29;
	s31 =	spop (v2sf)  }
0xd3: {  	[tilespmem:s9], [sflag:$0x5] =	stream.linear.gather [hbm4b:s11+s3], $0x80, $0x38;
	[tilespmem:$0x10400] =	vst v63  }
0xd4: {  	s8 =	sand.u32 $0x1FFFFFF0, s31;
	s7 =	sadd.s32 s2, s30;
	s12 =	spop (v2sf)  }
0xd5: {  	[tilespmem:s6], [sflag:$0x6] =	stream.linear.gather [hbm4b:s7+s3], $0x80, $0x38;
	[tilespmem:$0x10400] =	vst v63  }
0xd6: {  	s8 =	sadd.s32 s2, s8;
	s13 =	sand.u32 $0x1FFFFFF0, s12;
	s14 =	spop (v2sf)  }
0xd7: {  	[tilespmem:s10], [sflag:$0x7] =	stream.linear.gather [hbm4b:s8+s3], $0x80, $0x38;
	[tilespmem:$0x10400] =	vst v63  }
0xd8: {  	s6 =	sadd.s32 s2, s13;
	s7 =	sand.u32 $0x1FFFFFF0, s14;
	s15 =	spop (v2sf)  }
0xd9: {  	[tilespmem:s5], [sflag:$0x8] =	stream.linear.gather [hbm4b:s6+s3], $0x80, $0x38;
	[tilespmem:$0x10400] =	vst v63  }
0xda: {  	s16 =	sand.u32 $0x1FFFFFF0, s15;
	s7 =	sadd.s32 s2, s7;
	s24 =	spop (v2sf)  }
0xdb: {  	[tilespmem:s0], [sflag:$0x5] =	stream.linear.gather [hbm4b:s7+s3], $0x80, $0x38;
	[tilespmem:$0x10400] =	vst v63  }
0xdc: {  	s25 =	sand.u32 $0x1FFFFFF0, s24;
	s28 =	spop (v2sf);
	s5 =	sadd.s32 s2, s16  }
0xdd: {  	[tilespmem:s1], [sflag:$0x6] =	stream.linear.gather [hbm4b:s5+s3], $0x80, $0x38;
	[tilespmem:$0x10400] =	vst v63  }
0xde: {  	s30 =	sadd.s32 $0x8B00, s26;
	s29 =	sand.u32 $0x1FFFFFF0, s28;
	s0 =	sadd.s32 s2, s25  }
0xdf: {  	[tilespmem:s30], [sflag:$0x7] =	stream.linear.gather [hbm4b:s0+s3], $0x80, $0x38;
	[tilespmem:$0x10400] =	vst v63  }
0xe0: {  	s31 =	sadd.s32 $0x8B80, s26;
	s1 =	sadd.s32 s2, s29  }
0xe1: {  	[tilespmem:s31], [sflag:$0x8] =	stream.linear.gather [hbm4b:s1+s3], $0x80, $0x38;
	[tilespmem:$0x10400] =	vst v63  }
0xe2: {  	s1 =	simm.s32 $0x1  }
0xe3: {  	_ =	swait.ge [sflag:s1], $0x80  }
0xe4: {  	[sflag:s1] =	ssyncset.done $0x0  }
0xe5: {  	[sflag:s1] =	ssyncadd.s32 $0xFFFFFF80  }
0xe6: {  	_ =	swait.ge [sflag:s17], $0x80  }
0xe7: {  	[sflag:s17] =	ssyncset.done $0x0  }
0xe8: {  	[sflag:s17] =	ssyncadd.s32 $0xFFFFFF80  }
0xe9: {  	_ =	swait.ge [sflag:s18], $0x80  }
0xea: {  	[sflag:s18] =	ssyncset.done $0x0  }
0xeb: {  	[sflag:s18] =	ssyncadd.s32 $0xFFFFFF80  }
0xec: {  	_ =	swait.ge [sflag:s19], $0x80  }
0xed: {  	s0 =	simm.s32 $0x3F;
	[sflag:s19] =	ssyncset.done $0x0  }
.LBB2_6:
0xee: {  	p0 =	sne.s32 s0, $0x1;
	s0 =	sadd.s32 $0xFFFFFFFF, s0;
	[sflag:s19] =	ssyncadd.s32 $0xFFFFFF80  }
0xef: {  	_ =	swait.ge [sflag:s1], $0x80  }
0xf0: {  	[sflag:s1] =	ssyncset.done $0x0  }
0xf1: {  	[sflag:s1] =	ssyncadd.s32 $0xFFFFFF80  }
0xf2: {  	_ =	swait.ge [sflag:s17], $0x80  }
0xf3: {  	[sflag:s17] =	ssyncset.done $0x0  }
0xf4: {  	[sflag:s17] =	ssyncadd.s32 $0xFFFFFF80  }
.Ltmp2:
0xf5: {  	_ =	swait.ge [sflag:s18], $0x80;
	(pc) =	sbr.rel @p0 .LBB2_6-.Ltmp2, $4  }
0xf6: {  	[sflag:s18] =	ssyncset.done $0x0  }
0xf7: {  	[sflag:s18] =	ssyncadd.s32 $0xFFFFFF80  }
0xf8: {  	_ =	swait.ge [sflag:s19], $0x80  }
0xf9: {  	[sflag:s19] =	ssyncset.done $0x0  }
0xfa: {  	[sflag:s19] =	ssyncadd.s32 $0xFFFFFF80;
	s0 =	rddreg [dreg:$0x6];
	s1 =	simm.s32 $0x400  }
0xfb: {  	[hbm4b:s0+s3] =	stream.linear.scatter [tilespmem:s1], [sflag:$0x9], $0x8000, $0x38;
	[tilespmem:$0x10400] =	vst v63  }
0xfc: {  	s1 =	simm.s32 $0x9  }
0xfd: {  	_ =	swait.ge [sflag:s1], $0x8000  }
0xfe: {  	[sflag:s1] =	ssyncset.done $0x0  }
0xff: {  	[sflag:s1] =	ssyncadd.s32 $0xFFFF8000  }
0x100: {  	_ =	swait.ge [sflag:s20], $0x80  }
0x101: {  	[sflag:s20] =	ssyncset.done $0x0  }
0x102: {  	[sflag:s20] =	ssyncadd.s32 $0xFFFFFF80  }
0x103: {  	_ =	swait.ge [sflag:s21], $0x80  }
0x104: {  	[sflag:s21] =	ssyncset.done $0x0  }
0x105: {  	[sflag:s21] =	ssyncadd.s32 $0xFFFFFF80  }
0x106: {  	_ =	swait.ge [sflag:s22], $0x80  }
0x107: {  	[sflag:s22] =	ssyncset.done $0x0  }
0x108: {  	[sflag:s22] =	ssyncadd.s32 $0xFFFFFF80  }
0x109: {  	_ =	swait.ge [sflag:s23], $0x80  }
0x10a: {  	s0 =	simm.s32 $0x3F;
	[sflag:s23] =	ssyncset.done $0x0  }
.LBB2_8:
0x10b: {  	p0 =	sne.s32 s0, $0x1;
	s0 =	sadd.s32 $0xFFFFFFFF, s0;
	[sflag:s23] =	ssyncadd.s32 $0xFFFFFF80  }
0x10c: {  	_ =	swait.ge [sflag:s20], $0x80  }
0x10d: {  	[sflag:s20] =	ssyncset.done $0x0  }
0x10e: {  	[sflag:s20] =	ssyncadd.s32 $0xFFFFFF80  }
0x10f: {  	_ =	swait.ge [sflag:s21], $0x80  }
0x110: {  	[sflag:s21] =	ssyncset.done $0x0  }
0x111: {  	[sflag:s21] =	ssyncadd.s32 $0xFFFFFF80  }
.Ltmp3:
0x112: {  	_ =	swait.ge [sflag:s22], $0x80;
	(pc) =	sbr.rel @p0 .LBB2_8-.Ltmp3, $4  }
0x113: {  	[sflag:s22] =	ssyncset.done $0x0  }
0x114: {  	[sflag:s22] =	ssyncadd.s32 $0xFFFFFF80  }
0x115: {  	_ =	swait.ge [sflag:s23], $0x80  }
0x116: {  	[sflag:s23] =	ssyncset.done $0x0  }
0x117: {  	[sflag:s23] =	ssyncadd.s32 $0xFFFFFF80  }
0x118: {  	s26 =	simm.s32 $0x0;
	s0 =	rddreg [dreg:$0x7];
	s5 =	simm.s32 $0x8400  }
0x119: {  	[hbm4b:s0+s26] =	stream.linear.scatter [tilespmem:s5], [sflag:$0x9], $0x8000, $0x38;
	[tilespmem:$0x10400] =	vst v63  }
0x11a: {  	_ =	swait.ge [sflag:s1], $0x8000  }
0x11b: {  	[sflag:s1] =	ssyncset.done $0x0  }
0x11c: {  	s28 =	sand.u32 $0xF0, s26;
	[sflag:s1] =	ssyncadd.s32 $0xFFFF8000  }
0x11d: {  	v0 =	vld [tilespmem:s28+$0x100];
	_ =	sdelay $0x4  }
0x11e: {  	v0 =	vshll.u32 v0, $0x4  }
0x11f: {  	(v2sf) =	vpush v0, $0x0  }
0x120: {  	(v2sf) =	vpush v0, $0x2  }
0x121: {  	(v2sf) =	vpush v0, $0x1;
	_ =	sdelay $0x1  }
0x122: {  	(v2sf) =	vpush v0, $0x3  }
0x123: {  	(v2sf) =	vpush v0, $0x4;
	_ =	sdelay $0x1  }
0x124: {  	s29 =	simm.s32 $0x2000  }
0x125: {  	s31 =	simm.s32 $0x10;
	s30 =	simm.s32 $0x0;
	[dreg:$0xc] =	wrdreg s28  }
.LBB2_10:
0x126: {  	p0 =	sne.s32 s29, $0x1E000;
	(v2sf) =	vpush v0, $0x5;
	s0 =	smov.u32 s29;
	s29 =	sadd.s32 $0x2000, s29  }
0x127: {  	s1 =	sshra.s32 s30, $0x2;
	s30 =	smov.u32 s0  }
0x128: {  	s8 =	sadd.s32 $0x480, s1;
	(v2sf) =	vpush v0, $0x6  }
0x129: {  	s9 =	sadd.s32 $0x400, s1  }
0x12a: {  	s12 =	sadd.s32 $0x980, s1;
	s15 =	sadd.s32 $0xA00, s1;
	s0 =	sadd.s32 $0xA80, s1;
	(v2sf) =	vpush v0, $0x7  }
0x12b: {  	s6 =	sadd.s32 $0x800, s1;
	s24 =	sadd.s32 $0x880, s1;
	s5 =	sadd.s32 $0x900, s1  }
0x12c: {  	s10 =	sadd.s32 $0x700, s1;
	s7 =	sadd.s32 $0x780, s1;
	s11 =	spop (v2sf);
	(v2sf) =	vpush v0, $0x8  }
0x12d: {  	s13 =	sadd.s32 $0x500, s1;
	s11 =	sand.u32 $0x1FFFFFF0, s11;
	s14 =	spop (v2sf)  }
0x12e: {  	s16 =	sadd.s32 $0x680, s1;
	s11 =	sadd.s32 s4, s11;
	s25 =	spop (v2sf);
	(v2sf) =	vpush v0, $0x9  }
0x12f: {  	[tilespmem:s9], [sflag:$0x1] =	stream.linear.gather [hbm4b:s11+s26], $0x80, $0x38;
	[tilespmem:$0x10400] =	vst v63  }
0x130: {  	s9 =	sand.u32 $0x1FFFFFF0, s25;
	s11 =	sand.u32 $0x1FFFFFF0, s14;
	s14 =	spop (v2sf);
	(v2sf) =	vpush v0, $0xA  }
0x131: {  	s25 =	sadd.s32 $0x600, s1;
	s9 =	sadd.s32 s4, s9;
	s28 =	spop (v2sf)  }
0x132: {  	[tilespmem:s8], [sflag:$0x2] =	stream.linear.gather [hbm4b:s9+s26], $0x80, $0x38;
	(v2sf) =	vpush v0, $0xB;
	[tilespmem:$0x10400] =	vst v63  }
0x133: {  	s8 =	sadd.s32 s4, s11;
	s9 =	sand.u32 $0x1FFFFFF0, s14;
	s11 =	sand.u32 $0x1FFFFFF0, s28  }
0x134: {  	[tilespmem:s13], [sflag:$0x3] =	stream.linear.gather [hbm4b:s8+s26], $0x80, $0x38;
	(v2sf) =	vpush v0, $0xC;
	[tilespmem:$0x10400] =	vst v63  }
0x135: {  	s9 =	sadd.s32 s4, s9;
	s8 =	sadd.s32 $0x580, s1;
	s13 =	spop (v2sf)  }
0x136: {  	[tilespmem:s8], [sflag:$0x4] =	stream.linear.gather [hbm4b:s9+s26], $0x80, $0x38;
	(v2sf) =	vpush v0, $0xD;
	[tilespmem:$0x10400] =	vst v63  }
0x137: {  	s8 =	sadd.s32 s4, s11;
	s9 =	sand.u32 $0x1FFFFFF0, s13;
	s11 =	spop (v2sf)  }
0x138: {  	[tilespmem:s25], [sflag:$0x1] =	stream.linear.gather [hbm4b:s8+s26], $0x80, $0x38;
	(v2sf) =	vpush v0, $0xE;
	[tilespmem:$0x10400] =	vst v63  }
0x139: {  	s8 =	sadd.s32 s4, s9;
	s9 =	sand.u32 $0x1FFFFFF0, s11;
	s11 =	spop (v2sf)  }
0x13a: {  	[tilespmem:s16], [sflag:$0x2] =	stream.linear.gather [hbm4b:s8+s26], $0x80, $0x38;
	(v2sf) =	vpush v0, $0xF;
	[tilespmem:$0x10400] =	vst v63  }
0x13b: {  	s8 =	sadd.s32 s4, s9;
	s9 =	sand.u32 $0x1FFFFFF0, s11;
	s11 =	spop (v2sf)  }
0x13c: {  	[tilespmem:s10], [sflag:$0x3] =	stream.linear.gather [hbm4b:s8+s26], $0x80, $0x38;
	[tilespmem:$0x10400] =	vst v63  }
0x13d: {  	s8 =	sadd.s32 s4, s9;
	s9 =	sand.u32 $0x1FFFFFF0, s11;
	s10 =	spop (v2sf)  }
0x13e: {  	[tilespmem:s7], [sflag:$0x4] =	stream.linear.gather [hbm4b:s8+s26], $0x80, $0x38;
	[tilespmem:$0x10400] =	vst v63  }
0x13f: {  	s7 =	sadd.s32 s4, s9;
	s8 =	sand.u32 $0x1FFFFFF0, s10;
	s9 =	spop (v2sf)  }
0x140: {  	[tilespmem:s6], [sflag:$0x1] =	stream.linear.gather [hbm4b:s7+s26], $0x80, $0x38;
	[tilespmem:$0x10400] =	vst v63  }
0x141: {  	s6 =	sadd.s32 s4, s8;
	s7 =	sand.u32 $0x1FFFFFF0, s9;
	s8 =	spop (v2sf)  }
0x142: {  	[tilespmem:s24], [sflag:$0x2] =	stream.linear.gather [hbm4b:s6+s26], $0x80, $0x38;
	[tilespmem:$0x10400] =	vst v63  }
0x143: {  	s6 =	sadd.s32 s4, s7;
	s7 =	sand.u32 $0x1FFFFFF0, s8;
	s8 =	spop (v2sf)  }
0x144: {  	[tilespmem:s5], [sflag:$0x3] =	stream.linear.gather [hbm4b:s6+s26], $0x80, $0x38;
	[tilespmem:$0x10400] =	vst v63  }
0x145: {  	s5 =	sadd.s32 s4, s7;
	s6 =	sand.u32 $0x1FFFFFF0, s8;
	s7 =	spop (v2sf)  }
0x146: {  	[tilespmem:s12], [sflag:$0x4] =	stream.linear.gather [hbm4b:s5+s26], $0x80, $0x38;
	[tilespmem:$0x10400] =	vst v63  }
0x147: {  	s5 =	sadd.s32 s4, s6;
	s6 =	sand.u32 $0x1FFFFFF0, s7;
	s7 =	spop (v2sf)  }
0x148: {  	[tilespmem:s15], [sflag:$0x1] =	stream.linear.gather [hbm4b:s5+s26], $0x80, $0x38;
	[tilespmem:$0x10400] =	vst v63  }
0x149: {  	s5 =	sadd.s32 s4, s6;
	s6 =	sand.u32 $0x1FFFFFF0, s7;
	s7 =	spop (v2sf)  }
0x14a: {  	[tilespmem:s0], [sflag:$0x2] =	stream.linear.gather [hbm4b:s5+s26], $0x80, $0x38;
	[tilespmem:$0x10400] =	vst v63  }
0x14b: {  	s0 =	sadd.s32 $0xB00, s1;
	s5 =	sadd.s32 s4, s6;
	s6 =	sand.u32 $0x1FFFFFF0, s7  }
0x14c: {  	[tilespmem:s0], [sflag:$0x3] =	stream.linear.gather [hbm4b:s5+s26], $0x80, $0x38;
	[tilespmem:$0x10400] =	vst v63  }
0x14d: {  	s1 =	sadd.s32 $0xB80, s1;
	s0 =	sand.u32 $0xF0, s31;
	s5 =	sadd.s32 s4, s6  }
0x14e: {  	[tilespmem:s1], [sflag:$0x4] =	stream.linear.gather [hbm4b:s5+s26], $0x80, $0x38;
	[tilespmem:$0x10400] =	vst v63  }
0x14f: {  	v0 =	vld [tilespmem:s0+$0x100];
	_ =	sdelay $0x4  }
0x150: {  	v0 =	vshll.u32 v0, $0x4  }
0x151: {  	(v2sf) =	vpush v0, $0x0  }
0x152: {  	(v2sf) =	vpush v0, $0x2  }
0x153: {  	(v2sf) =	vpush v0, $0x1;
	_ =	sdelay $0x1  }
.Ltmp4:
0x154: {  	(v2sf) =	vpush v0, $0x3;
	(pc) =	sbr.rel @p0 .LBB2_10-.Ltmp4, $2  }
0x155: {  	(v2sf) =	vpush v0, $0x4;
	_ =	sdelay $0x2  }
0x156: {  	s31 =	sadd.s32 $0x10, s31  }
0x157: {  	(v2sf) =	vpush v0, $0x5;
	_ =	sdelay $0x1  }
0x158: {  	s0 =	sshra.s32 s30, $0x2;
	(v2sf) =	vpush v0, $0x6  }
0x159: {  	s7 =	sadd.s32 $0x480, s0;
	s8 =	sadd.s32 $0x400, s0  }
0x15a: {  	s6 =	sadd.s32 $0x980, s0;
	s5 =	sadd.s32 $0xA00, s0;
	s1 =	sadd.s32 $0xA80, s0;
	(v2sf) =	vpush v0, $0x7  }
0x15b: {  	s9 =	sadd.s32 $0x800, s0;
	s10 =	sadd.s32 $0x880, s0;
	s11 =	sadd.s32 $0x900, s0  }
0x15c: {  	s12 =	sadd.s32 $0x700, s0;
	s13 =	sadd.s32 $0x780, s0;
	s14 =	spop (v2sf);
	(v2sf) =	vpush v0, $0x8  }
0x15d: {  	s15 =	sadd.s32 $0x500, s0;
	s14 =	sand.u32 $0x1FFFFFF0, s14;
	s16 =	spop (v2sf)  }
0x15e: {  	s24 =	sadd.s32 $0x680, s0;
	s14 =	sadd.s32 s4, s14;
	s25 =	spop (v2sf);
	(v2sf) =	vpush v0, $0x9  }
0x15f: {  	[tilespmem:s8], [sflag:$0x1] =	stream.linear.gather [hbm4b:s14+s26], $0x80, $0x38;
	[tilespmem:$0x10400] =	vst v63  }
0x160: {  	s30 =	sand.u32 $0x1FFFFFF0, s16;
	s25 =	sand.u32 $0x1FFFFFF0, s25;
	s31 =	spop (v2sf);
	(v2sf) =	vpush v0, $0xA  }
0x161: {  	s8 =	sadd.s32 s4, s25;
	s25 =	sadd.s32 $0x600, s0;
	s28 =	spop (v2sf)  }
0x162: {  	[tilespmem:s7], [sflag:$0x2] =	stream.linear.gather [hbm4b:s8+s26], $0x80, $0x38;
	(v2sf) =	vpush v0, $0xB;
	[tilespmem:$0x10400] =	vst v63  }
0x163: {  	s8 =	sadd.s32 s4, s30;
	s14 =	sand.u32 $0x1FFFFFF0, s31;
	s30 =	sadd.s32 $0x580, s0  }
0x164: {  	(v2sf) =	vpush v0, $0xC;
	[tilespmem:s15], [sflag:$0x3] =	stream.linear.gather [hbm4b:s8+s26], $0x80, $0x38;
	[tilespmem:$0x10400] =	vst v63  }
0x165: {  	s16 =	sand.u32 $0x1FFFFFF0, s28;
	s8 =	sadd.s32 s4, s14;
	s31 =	spop (v2sf)  }
0x166: {  	[tilespmem:s30], [sflag:$0x4] =	stream.linear.gather [hbm4b:s8+s26], $0x80, $0x38;
	(v2sf) =	vpush v0, $0xD;
	[tilespmem:$0x10400] =	vst v63  }
0x167: {  	s16 =	sadd.s32 s4, s16;
	s30 =	sand.u32 $0x1FFFFFF0, s31;
	s31 =	spop (v2sf)  }
0x168: {  	(v2sf) =	vpush v0, $0xE;
	[tilespmem:s25], [sflag:$0x1] =	stream.linear.gather [hbm4b:s16+s26], $0x80, $0x38;
	[tilespmem:$0x10400] =	vst v63  }
0x169: {  	s8 =	sadd.s32 s4, s30;
	s15 =	sand.u32 $0x1FFFFFF0, s31;
	s16 =	spop (v2sf)  }
0x16a: {  	(v2sf) =	vpush v0, $0xF;
	[tilespmem:s24], [sflag:$0x2] =	stream.linear.gather [hbm4b:s8+s26], $0x80, $0x38;
	[tilespmem:$0x10400] =	vst v63  }
0x16b: {  	s25 =	sadd.s32 s4, s15;
	s30 =	sand.u32 $0x1FFFFFF0, s16;
	s31 =	spop (v2sf)  }
0x16c: {  	[tilespmem:s12], [sflag:$0x3] =	stream.linear.gather [hbm4b:s25+s26], $0x80, $0x38;
	[tilespmem:$0x10400] =	vst v63  }
0x16d: {  	s15 =	sadd.s32 s4, s30;
	s16 =	sand.u32 $0x1FFFFFF0, s31;
	s24 =	spop (v2sf)  }
0x16e: {  	[tilespmem:s13], [sflag:$0x4] =	stream.linear.gather [hbm4b:s15+s26], $0x80, $0x38;
	[tilespmem:$0x10400] =	vst v63  }
0x16f: {  	s25 =	sadd.s32 s4, s16;
	s30 =	sand.u32 $0x1FFFFFF0, s24;
	s31 =	spop (v2sf)  }
0x170: {  	[tilespmem:s9], [sflag:$0x1] =	stream.linear.gather [hbm4b:s25+s26], $0x80, $0x38;
	[tilespmem:$0x10400] =	vst v63  }
0x171: {  	s9 =	sadd.s32 s4, s30;
	s13 =	sand.u32 $0x1FFFFFF0, s31;
	s14 =	spop (v2sf)  }
0x172: {  	[tilespmem:s10], [sflag:$0x2] =	stream.linear.gather [hbm4b:s9+s26], $0x80, $0x38;
	[tilespmem:$0x10400] =	vst v63  }
0x173: {  	s15 =	sadd.s32 s4, s13;
	s16 =	sand.u32 $0x1FFFFFF0, s14;
	s24 =	spop (v2sf)  }
0x174: {  	[tilespmem:s11], [sflag:$0x3] =	stream.linear.gather [hbm4b:s15+s26], $0x80, $0x38;
	[tilespmem:$0x10400] =	vst v63  }
0x175: {  	s25 =	sadd.s32 s4, s16;
	s30 =	sand.u32 $0x1FFFFFF0, s24;
	s31 =	spop (v2sf)  }
0x176: {  	[tilespmem:s6], [sflag:$0x4] =	stream.linear.gather [hbm4b:s25+s26], $0x80, $0x38;
	[tilespmem:$0x10400] =	vst v63  }
0x177: {  	s10 =	sadd.s32 s4, s30;
	s11 =	sand.u32 $0x1FFFFFF0, s31;
	s12 =	spop (v2sf)  }
0x178: {  	[tilespmem:s5], [sflag:$0x1] =	stream.linear.gather [hbm4b:s10+s26], $0x80, $0x38;
	[tilespmem:$0x10400] =	vst v63  }
0x179: {  	s13 =	sadd.s32 s4, s11;
	s14 =	sand.u32 $0x1FFFFFF0, s12;
	s15 =	spop (v2sf)  }
0x17a: {  	[tilespmem:s1], [sflag:$0x2] =	stream.linear.gather [hbm4b:s13+s26], $0x80, $0x38;
	[tilespmem:$0x10400] =	vst v63  }
0x17b: {  	s16 =	sadd.s32 $0xB00, s0;
	s24 =	sadd.s32 s4, s14;
	s25 =	sand.u32 $0x1FFFFFF0, s15  }
0x17c: {  	[tilespmem:s16], [sflag:$0x3] =	stream.linear.gather [hbm4b:s24+s26], $0x80, $0x38;
	[tilespmem:$0x10400] =	vst v63  }
0x17d: {  	s0 =	sadd.s32 $0xB80, s0;
	s31 =	rddreg [dreg:$0xc];
	s30 =	sadd.s32 s4, s25  }
0x17e: {  	[tilespmem:s0], [sflag:$0x4] =	stream.linear.gather [hbm4b:s30+s26], $0x80, $0x38;
	[tilespmem:$0x10400] =	vst v63  }
0x17f: {  	v0 =	vld [tilespmem:s31+$0x300];
	_ =	sdelay $0x4  }
0x180: {  	v0 =	vshll.u32 v0, $0x4  }
0x181: {  	(v2sf) =	vpush v0, $0x0  }
0x182: {  	(v2sf) =	vpush v0, $0x2  }
0x183: {  	(v2sf) =	vpush v0, $0x1;
	_ =	sdelay $0x1  }
0x184: {  	(v2sf) =	vpush v0, $0x3  }
0x185: {  	(v2sf) =	vpush v0, $0x4;
	_ =	sdelay $0x2  }
0x186: {  	s29 =	simm.s32 $0x10;
	s28 =	simm.s32 $0x2000  }
.LBB2_12:
0x187: {  	p0 =	sne.s32 s28, $0x1E000;
	(v2sf) =	vpush v0, $0x5;
	s0 =	smov.u32 s28;
	s28 =	sadd.s32 $0x2000, s28  }
0x188: {  	s1 =	sshra.s32 s26, $0x2;
	s26 =	smov.u32 s0  }
0x189: {  	s8 =	sadd.s32 $0x8480, s1;
	(v2sf) =	vpush v0, $0x6  }
0x18a: {  	s9 =	sadd.s32 $0x8400, s1  }
0x18b: {  	s12 =	sadd.s32 $0x8980, s1;
	s15 =	sadd.s32 $0x8A00, s1;
	s0 =	sadd.s32 $0x8A80, s1;
	(v2sf) =	vpush v0, $0x7  }
0x18c: {  	s6 =	sadd.s32 $0x8800, s1;
	s24 =	sadd.s32 $0x8880, s1;
	s5 =	sadd.s32 $0x8900, s1  }
0x18d: {  	s10 =	sadd.s32 $0x8700, s1;
	s7 =	sadd.s32 $0x8780, s1;
	s11 =	spop (v2sf);
	(v2sf) =	vpush v0, $0x8  }
0x18e: {  	s13 =	sadd.s32 $0x8500, s1;
	s11 =	sand.u32 $0x1FFFFFF0, s11;
	s14 =	spop (v2sf)  }
0x18f: {  	s16 =	sadd.s32 $0x8680, s1;
	s11 =	sadd.s32 s2, s11;
	s25 =	spop (v2sf);
	(v2sf) =	vpush v0, $0x9  }
0x190: {  	[tilespmem:s9], [sflag:$0x5] =	stream.linear.gather [hbm4b:s11+s3], $0x80, $0x38;
	[tilespmem:$0x10400] =	vst v63  }
0x191: {  	s9 =	sand.u32 $0x1FFFFFF0, s25;
	s11 =	sand.u32 $0x1FFFFFF0, s14;
	s14 =	spop (v2sf);
	(v2sf) =	vpush v0, $0xA  }
0x192: {  	s25 =	sadd.s32 $0x8600, s1;
	s9 =	sadd.s32 s2, s9;
	s30 =	spop (v2sf)  }
0x193: {  	[tilespmem:s8], [sflag:$0x6] =	stream.linear.gather [hbm4b:s9+s3], $0x80, $0x38;
	(v2sf) =	vpush v0, $0xB;
	[tilespmem:$0x10400] =	vst v63  }
0x194: {  	s8 =	sadd.s32 s2, s11;
	s9 =	sand.u32 $0x1FFFFFF0, s14;
	s11 =	sand.u32 $0x1FFFFFF0, s30  }
0x195: {  	[tilespmem:s13], [sflag:$0x7] =	stream.linear.gather [hbm4b:s8+s3], $0x80, $0x38;
	(v2sf) =	vpush v0, $0xC;
	[tilespmem:$0x10400] =	vst v63  }
0x196: {  	s9 =	sadd.s32 s2, s9;
	s8 =	sadd.s32 $0x8580, s1;
	s13 =	spop (v2sf)  }
0x197: {  	[tilespmem:s8], [sflag:$0x8] =	stream.linear.gather [hbm4b:s9+s3], $0x80, $0x38;
	(v2sf) =	vpush v0, $0xD;
	[tilespmem:$0x10400] =	vst v63  }
0x198: {  	s8 =	sadd.s32 s2, s11;
	s9 =	sand.u32 $0x1FFFFFF0, s13;
	s11 =	spop (v2sf)  }
0x199: {  	[tilespmem:s25], [sflag:$0x5] =	stream.linear.gather [hbm4b:s8+s3], $0x80, $0x38;
	(v2sf) =	vpush v0, $0xE;
	[tilespmem:$0x10400] =	vst v63  }
0x19a: {  	s8 =	sadd.s32 s2, s9;
	s9 =	sand.u32 $0x1FFFFFF0, s11;
	s11 =	spop (v2sf)  }
0x19b: {  	[tilespmem:s16], [sflag:$0x6] =	stream.linear.gather [hbm4b:s8+s3], $0x80, $0x38;
	(v2sf) =	vpush v0, $0xF;
	[tilespmem:$0x10400] =	vst v63  }
0x19c: {  	s8 =	sadd.s32 s2, s9;
	s9 =	sand.u32 $0x1FFFFFF0, s11;
	s11 =	spop (v2sf)  }
0x19d: {  	[tilespmem:s10], [sflag:$0x7] =	stream.linear.gather [hbm4b:s8+s3], $0x80, $0x38;
	[tilespmem:$0x10400] =	vst v63  }
0x19e: {  	s8 =	sadd.s32 s2, s9;
	s9 =	sand.u32 $0x1FFFFFF0, s11;
	s10 =	spop (v2sf)  }
0x19f: {  	[tilespmem:s7], [sflag:$0x8] =	stream.linear.gather [hbm4b:s8+s3], $0x80, $0x38;
	[tilespmem:$0x10400] =	vst v63  }
0x1a0: {  	s7 =	sadd.s32 s2, s9;
	s8 =	sand.u32 $0x1FFFFFF0, s10;
	s9 =	spop (v2sf)  }
0x1a1: {  	[tilespmem:s6], [sflag:$0x5] =	stream.linear.gather [hbm4b:s7+s3], $0x80, $0x38;
	[tilespmem:$0x10400] =	vst v63  }
0x1a2: {  	s6 =	sadd.s32 s2, s8;
	s7 =	sand.u32 $0x1FFFFFF0, s9;
	s8 =	spop (v2sf)  }
0x1a3: {  	[tilespmem:s24], [sflag:$0x6] =	stream.linear.gather [hbm4b:s6+s3], $0x80, $0x38;
	[tilespmem:$0x10400] =	vst v63  }
0x1a4: {  	s6 =	sadd.s32 s2, s7;
	s7 =	sand.u32 $0x1FFFFFF0, s8;
	s8 =	spop (v2sf)  }
0x1a5: {  	[tilespmem:s5], [sflag:$0x7] =	stream.linear.gather [hbm4b:s6+s3], $0x80, $0x38;
	[tilespmem:$0x10400] =	vst v63  }
0x1a6: {  	s5 =	sadd.s32 s2, s7;
	s6 =	sand.u32 $0x1FFFFFF0, s8;
	s7 =	spop (v2sf)  }
0x1a7: {  	[tilespmem:s12], [sflag:$0x8] =	stream.linear.gather [hbm4b:s5+s3], $0x80, $0x38;
	[tilespmem:$0x10400] =	vst v63  }
0x1a8: {  	s5 =	sadd.s32 s2, s6;
	s6 =	sand.u32 $0x1FFFFFF0, s7;
	s7 =	spop (v2sf)  }
0x1a9: {  	[tilespmem:s15], [sflag:$0x5] =	stream.linear.gather [hbm4b:s5+s3], $0x80, $0x38;
	[tilespmem:$0x10400] =	vst v63  }
0x1aa: {  	s5 =	sadd.s32 s2, s6;
	s6 =	sand.u32 $0x1FFFFFF0, s7;
	s7 =	spop (v2sf)  }
0x1ab: {  	[tilespmem:s0], [sflag:$0x6] =	stream.linear.gather [hbm4b:s5+s3], $0x80, $0x38;
	[tilespmem:$0x10400] =	vst v63  }
0x1ac: {  	s0 =	sadd.s32 $0x8B00, s1;
	s5 =	sadd.s32 s2, s6;
	s6 =	sand.u32 $0x1FFFFFF0, s7  }
0x1ad: {  	[tilespmem:s0], [sflag:$0x7] =	stream.linear.gather [hbm4b:s5+s3], $0x80, $0x38;
	[tilespmem:$0x10400] =	vst v63  }
0x1ae: {  	s1 =	sadd.s32 $0x8B80, s1;
	s0 =	sand.u32 $0xF0, s29;
	s5 =	sadd.s32 s2, s6  }
0x1af: {  	[tilespmem:s1], [sflag:$0x8] =	stream.linear.gather [hbm4b:s5+s3], $0x80, $0x38;
	[tilespmem:$0x10400] =	vst v63  }
0x1b0: {  	v0 =	vld [tilespmem:s0+$0x300];
	_ =	sdelay $0x4  }
0x1b1: {  	v0 =	vshll.u32 v0, $0x4  }
0x1b2: {  	(v2sf) =	vpush v0, $0x0  }
0x1b3: {  	(v2sf) =	vpush v0, $0x2  }
0x1b4: {  	(v2sf) =	vpush v0, $0x1;
	_ =	sdelay $0x1  }
.Ltmp5:
0x1b5: {  	(v2sf) =	vpush v0, $0x3;
	(pc) =	sbr.rel @p0 .LBB2_12-.Ltmp5, $2  }
0x1b6: {  	(v2sf) =	vpush v0, $0x4;
	_ =	sdelay $0x2  }
0x1b7: {  	s29 =	sadd.s32 $0x10, s29  }
0x1b8: {  	(v2sf) =	vpush v0, $0x5;
	_ =	sdelay $0x1  }
0x1b9: {  	s0 =	sshra.s32 s26, $0x2;
	(v2sf) =	vpush v0, $0x6  }
0x1ba: {  	s7 =	sadd.s32 $0x8480, s0;
	s8 =	sadd.s32 $0x8400, s0  }
0x1bb: {  	s6 =	sadd.s32 $0x8980, s0;
	s5 =	sadd.s32 $0x8A00, s0;
	s1 =	sadd.s32 $0x8A80, s0;
	(v2sf) =	vpush v0, $0x7  }
0x1bc: {  	s9 =	sadd.s32 $0x8800, s0;
	s10 =	sadd.s32 $0x8880, s0;
	s11 =	sadd.s32 $0x8900, s0  }
0x1bd: {  	s12 =	sadd.s32 $0x8700, s0;
	s13 =	sadd.s32 $0x8780, s0;
	s14 =	spop (v2sf);
	(v2sf) =	vpush v0, $0x8  }
0x1be: {  	s15 =	sadd.s32 $0x8500, s0;
	s14 =	sand.u32 $0x1FFFFFF0, s14;
	s16 =	spop (v2sf)  }
0x1bf: {  	s24 =	sadd.s32 $0x8680, s0;
	s14 =	sadd.s32 s2, s14;
	s25 =	spop (v2sf);
	(v2sf) =	vpush v0, $0x9  }
0x1c0: {  	[tilespmem:s8], [sflag:$0x5] =	stream.linear.gather [hbm4b:s14+s3], $0x80, $0x38;
	[tilespmem:$0x10400] =	vst v63  }
0x1c1: {  	s29 =	sand.u32 $0x1FFFFFF0, s16;
	s28 =	sand.u32 $0x1FFFFFF0, s25;
	s30 =	spop (v2sf);
	(v2sf) =	vpush v0, $0xA  }
0x1c2: {  	s25 =	sadd.s32 $0x8600, s0;
	s8 =	sadd.s32 s2, s28;
	s31 =	spop (v2sf)  }
0x1c3: {  	[tilespmem:s7], [sflag:$0x6] =	stream.linear.gather [hbm4b:s8+s3], $0x80, $0x38;
	(v2sf) =	vpush v0, $0xB;
	[tilespmem:$0x10400] =	vst v63  }
0x1c4: {  	s14 =	sadd.s32 s2, s29;
	s28 =	sand.u32 $0x1FFFFFF0, s30;
	s30 =	sadd.s32 $0x8580, s0  }
0x1c5: {  	(v2sf) =	vpush v0, $0xC;
	[tilespmem:s15], [sflag:$0x7] =	stream.linear.gather [hbm4b:s14+s3], $0x80, $0x38;
	[tilespmem:$0x10400] =	vst v63  }
0x1c6: {  	s29 =	sand.u32 $0x1FFFFFF0, s31;
	s8 =	sadd.s32 s2, s28;
	s31 =	spop (v2sf)  }
0x1c7: {  	[tilespmem:s30], [sflag:$0x8] =	stream.linear.gather [hbm4b:s8+s3], $0x80, $0x38;
	(v2sf) =	vpush v0, $0xD;
	[tilespmem:$0x10400] =	vst v63  }
0x1c8: {  	s14 =	sadd.s32 s2, s29;
	s15 =	sand.u32 $0x1FFFFFF0, s31;
	s16 =	spop (v2sf)  }
0x1c9: {  	(v2sf) =	vpush v0, $0xE;
	[tilespmem:s25], [sflag:$0x5] =	stream.linear.gather [hbm4b:s14+s3], $0x80, $0x38;
	[tilespmem:$0x10400] =	vst v63  }
0x1ca: {  	s25 =	sadd.s32 s2, s15;
	s26 =	sand.u32 $0x1FFFFFF0, s16;
	s28 =	spop (v2sf)  }
0x1cb: {  	(v2sf) =	vpush v0, $0xF;
	[tilespmem:s24], [sflag:$0x6] =	stream.linear.gather [hbm4b:s25+s3], $0x80, $0x38;
	[tilespmem:$0x10400] =	vst v63  }
0x1cc: {  	s29 =	sadd.s32 s2, s26;
	s30 =	sand.u32 $0x1FFFFFF0, s28;
	s31 =	spop (v2sf)  }
0x1cd: {  	[tilespmem:s12], [sflag:$0x7] =	stream.linear.gather [hbm4b:s29+s3], $0x80, $0x38;
	[tilespmem:$0x10400] =	vst v63  }
0x1ce: {  	s15 =	sadd.s32 s2, s30;
	s16 =	sand.u32 $0x1FFFFFF0, s31;
	s24 =	spop (v2sf)  }
0x1cf: {  	[tilespmem:s13], [sflag:$0x8] =	stream.linear.gather [hbm4b:s15+s3], $0x80, $0x38;
	[tilespmem:$0x10400] =	vst v63  }
0x1d0: {  	s25 =	sadd.s32 s2, s16;
	s26 =	sand.u32 $0x1FFFFFF0, s24;
	s28 =	spop (v2sf)  }
0x1d1: {  	[tilespmem:s9], [sflag:$0x5] =	stream.linear.gather [hbm4b:s25+s3], $0x80, $0x38;
	[tilespmem:$0x10400] =	vst v63  }
0x1d2: {  	s29 =	sadd.s32 s2, s26;
	s30 =	sand.u32 $0x1FFFFFF0, s28;
	s31 =	spop (v2sf)  }
0x1d3: {  	[tilespmem:s10], [sflag:$0x6] =	stream.linear.gather [hbm4b:s29+s3], $0x80, $0x38;
	[tilespmem:$0x10400] =	vst v63  }
0x1d4: {  	s8 =	sadd.s32 s2, s30;
	s9 =	sand.u32 $0x1FFFFFF0, s31;
	s10 =	spop (v2sf)  }
0x1d5: {  	[tilespmem:s11], [sflag:$0x7] =	stream.linear.gather [hbm4b:s8+s3], $0x80, $0x38;
	[tilespmem:$0x10400] =	vst v63  }
0x1d6: {  	s12 =	sand.u32 $0x1FFFFFF0, s10;
	s11 =	sadd.s32 s2, s9;
	s13 =	spop (v2sf)  }
0x1d7: {  	[tilespmem:s6], [sflag:$0x8] =	stream.linear.gather [hbm4b:s11+s3], $0x80, $0x38;
	[tilespmem:$0x10400] =	vst v63  }
0x1d8: {  	s14 =	sadd.s32 s2, s12;
	s15 =	sand.u32 $0x1FFFFFF0, s13;
	s16 =	spop (v2sf)  }
0x1d9: {  	[tilespmem:s5], [sflag:$0x5] =	stream.linear.gather [hbm4b:s14+s3], $0x80, $0x38;
	[tilespmem:$0x10400] =	vst v63  }
0x1da: {  	s24 =	sadd.s32 s2, s15;
	s25 =	sand.u32 $0x1FFFFFF0, s16;
	s26 =	spop (v2sf)  }
0x1db: {  	[tilespmem:s1], [sflag:$0x6] =	stream.linear.gather [hbm4b:s24+s3], $0x80, $0x38;
	[tilespmem:$0x10400] =	vst v63  }
0x1dc: {  	s28 =	sadd.s32 $0x8B00, s0;
	s29 =	sadd.s32 s2, s25;
	s30 =	sand.u32 $0x1FFFFFF0, s26  }
0x1dd: {  	[tilespmem:s28], [sflag:$0x7] =	stream.linear.gather [hbm4b:s29+s3], $0x80, $0x38;
	[tilespmem:$0x10400] =	vst v63  }
0x1de: {  	s0 =	sadd.s32 $0x8B80, s0;
	s31 =	sadd.s32 s2, s30;
	s1 =	simm.s32 $0x1  }
0x1df: {  	[tilespmem:s0], [sflag:$0x8] =	stream.linear.gather [hbm4b:s31+s3], $0x80, $0x38;
	[tilespmem:$0x10400] =	vst v63  }
0x1e0: {  	_ =	swait.ge [sflag:s1], $0x80  }
0x1e1: {  	[sflag:s1] =	ssyncset.done $0x0  }
0x1e2: {  	[sflag:s1] =	ssyncadd.s32 $0xFFFFFF80  }
0x1e3: {  	_ =	swait.ge [sflag:s17], $0x80  }
0x1e4: {  	[sflag:s17] =	ssyncset.done $0x0  }
0x1e5: {  	[sflag:s17] =	ssyncadd.s32 $0xFFFFFF80  }
0x1e6: {  	_ =	swait.ge [sflag:s18], $0x80  }
0x1e7: {  	[sflag:s18] =	ssyncset.done $0x0  }
0x1e8: {  	[sflag:s18] =	ssyncadd.s32 $0xFFFFFF80  }
0x1e9: {  	_ =	swait.ge [sflag:s19], $0x80  }
0x1ea: {  	s0 =	simm.s32 $0x3F;
	[sflag:s19] =	ssyncset.done $0x0  }
.LBB2_14:
0x1eb: {  	p0 =	sne.s32 s0, $0x1;
	s0 =	sadd.s32 $0xFFFFFFFF, s0;
	[sflag:s19] =	ssyncadd.s32 $0xFFFFFF80  }
0x1ec: {  	_ =	swait.ge [sflag:s1], $0x80  }
0x1ed: {  	[sflag:s1] =	ssyncset.done $0x0  }
0x1ee: {  	[sflag:s1] =	ssyncadd.s32 $0xFFFFFF80  }
0x1ef: {  	_ =	swait.ge [sflag:s17], $0x80  }
0x1f0: {  	[sflag:s17] =	ssyncset.done $0x0  }
0x1f1: {  	[sflag:s17] =	ssyncadd.s32 $0xFFFFFF80  }
.Ltmp6:
0x1f2: {  	_ =	swait.ge [sflag:s18], $0x80;
	(pc) =	sbr.rel @p0 .LBB2_14-.Ltmp6, $4  }
0x1f3: {  	[sflag:s18] =	ssyncset.done $0x0  }
0x1f4: {  	[sflag:s18] =	ssyncadd.s32 $0xFFFFFF80  }
0x1f5: {  	_ =	swait.ge [sflag:s19], $0x80  }
0x1f6: {  	[sflag:s19] =	ssyncset.done $0x0  }
0x1f7: {  	[sflag:s19] =	ssyncadd.s32 $0xFFFFFF80  }
0x1f8: {  	s0 =	rddreg [dreg:$0x8];
	s1 =	simm.s32 $0x400;
	s6 =	simm.s32 $0x9  }
0x1f9: {  	[hbm4b:s0+s3] =	stream.linear.scatter [tilespmem:s1], [sflag:$0x9], $0x8000, $0x38;
	[tilespmem:$0x10400] =	vst v63  }
0x1fa: {  	_ =	swait.ge [sflag:s6], $0x8000  }
0x1fb: {  	[sflag:s6] =	ssyncset.done $0x0  }
0x1fc: {  	[sflag:s6] =	ssyncadd.s32 $0xFFFF8000  }
0x1fd: {  	_ =	swait.ge [sflag:s20], $0x80  }
0x1fe: {  	[sflag:s20] =	ssyncset.done $0x0  }
0x1ff: {  	[sflag:s20] =	ssyncadd.s32 $0xFFFFFF80  }
0x200: {  	_ =	swait.ge [sflag:s21], $0x80  }
0x201: {  	[sflag:s21] =	ssyncset.done $0x0  }
0x202: {  	[sflag:s21] =	ssyncadd.s32 $0xFFFFFF80  }
0x203: {  	_ =	swait.ge [sflag:s22], $0x80  }
0x204: {  	[sflag:s22] =	ssyncset.done $0x0  }
0x205: {  	[sflag:s22] =	ssyncadd.s32 $0xFFFFFF80  }
0x206: {  	_ =	swait.ge [sflag:s23], $0x80  }
0x207: {  	s0 =	simm.s32 $0x3F;
	[sflag:s23] =	ssyncset.done $0x0  }
.LBB2_16:
0x208: {  	p0 =	sne.s32 s0, $0x1;
	s0 =	sadd.s32 $0xFFFFFFFF, s0;
	[sflag:s23] =	ssyncadd.s32 $0xFFFFFF80  }
0x209: {  	_ =	swait.ge [sflag:s20], $0x80  }
0x20a: {  	[sflag:s20] =	ssyncset.done $0x0  }
0x20b: {  	[sflag:s20] =	ssyncadd.s32 $0xFFFFFF80  }
0x20c: {  	_ =	swait.ge [sflag:s21], $0x80  }
0x20d: {  	[sflag:s21] =	ssyncset.done $0x0  }
0x20e: {  	[sflag:s21] =	ssyncadd.s32 $0xFFFFFF80  }
.Ltmp7:
0x20f: {  	_ =	swait.ge [sflag:s22], $0x80;
	(pc) =	sbr.rel @p0 .LBB2_16-.Ltmp7, $4  }
0x210: {  	[sflag:s22] =	ssyncset.done $0x0  }
0x211: {  	[sflag:s22] =	ssyncadd.s32 $0xFFFFFF80  }
0x212: {  	_ =	swait.ge [sflag:s23], $0x80  }
0x213: {  	[sflag:s23] =	ssyncset.done $0x0  }
0x214: {  	[sflag:s23] =	ssyncadd.s32 $0xFFFFFF80;
	s0 =	rddreg [dreg:$0x9];
	s1 =	simm.s32 $0x8400  }
0x215: {  	[hbm4b:s0+s3] =	stream.linear.scatter [tilespmem:s1], [sflag:$0x9], $0x8000, $0x38;
	[tilespmem:$0x10400] =	vst v63  }
0x216: {  	_ =	swait.ge [sflag:s6], $0x8000  }
0x217: {  	s30 =	rddreg [dreg:$0xb]  }
0x218: {  	s31 =	rddreg [dreg:$0xa];
	s1 =	sadd.s32 $0x1, s30  }
0x219: {  	p0 =	sne.s32 s1, s31  }
.Ltmp8:
0x21a: {  	_ = 	snop;
	(pc) =	sbr.rel @p0 .LBB2_1-.Ltmp8, $3  }
0x21b: {  	_ =	sdelay $0x1  }
0x21c: {  	[sflag:s6] =	ssyncset.done $0x0  }
0x21d: {  	[sflag:s6] =	ssyncadd.s32 $0xFFFF8000  }
0x21e: {  	_ =	sfence.sel $0x180000  }
0x21f: {  	[bflag:$0x0] =	sbarrier.arrive $0xFFFF  }
0x220: {  	_ =	strace $0x90000047  }
0x221: {  	s0 =	stileid.u32;
	[bflag:$0x2] =	sbarrier.arrive $0xFFFF  }
0x222: {  	p0 =	sne.s32 s0, $0x0;
	s0 =	rddreg [dreg:$0x3]  }
0x223: {  	s0 =	sadd.s32 @!p0 $0x100000, s0  }
0x224: {  	[sflag:s0] =	ssyncadd.tile.s32 @!p0 $0x1;
	_ =	shalt  }
.Lfunc_end2:
_tile_overlayer_lowered:
.L_overlay_start_2:
0x225: {  	(tag) =	ssettag $0x2  }
0x226: {  	s0 =	rddreg [dreg:$0x0];
	s2 =	stileid.u32  }
0x227: {  	s1 =	rddreg [dreg:$0x1];
	p0 =	sne.s32 s2, $0x0  }
0x228: {  	s3 =	rddreg [dreg:$0x2];
	[bflag:$0x3] =	sbarrier.arrive $0xFFFF;
	s2 =	simm.s32 @!p0 $0x1C09  }
0x229: {  	[timem:s3], [sflag:s2] =	dma.local @!p0 [hbm:s0], s1  }
0x22a: {  	s0 =	simm.s32 @!p0 $0x9  }
0x22b: {  	_ =	swait.ge @!p0 [sflag:s0], s1  }
0x22c: {  	s1 =	ssub.s32 @!p0 $0x0, s1;
	[sflag:s0] =	ssyncset.done @!p0 $0x0  }
0x22d: {  	[sflag:s0] =	ssyncadd.s32 @!p0 s1  }
0x22e: {  	[bflag:$0x3] =	sbarrier.arrive $0xFFFF  }
0x22f: {  	_ =	shalt  }

</sc_bundles>
